<compile_context>
chip_gen: v7x
topology: tpu7x:2x2x1
jax: 0.10.2.dev20260603
libtpu: 0.0.44.dev20260713+nightly
codegen_flags: <defaults>
</compile_context>

<pallas_src>
import functools

import jax
import jax.numpy as jnp
from jax import lax
from jax.experimental import pallas as pl
from jax.experimental.pallas import tpu as pltpu
from jax.experimental.pallas import tpu_sc as plsc

_NE = 8192
_D = 32
_BLK = 256
_HALF = 4096
_N = 65536
_NB = _N // _BLK
_COMMIT = 0.25

_NW = 32
_RPW = _N // _NW
_GCH = 128
_CCH = 512
_DP = 128

_HW = 1024
_NB_B = 64


def _argmin_block(zh_ref, rn_ref, wn_ref, wh_ref, idx_ref):
    zbh = zh_ref[...]
    rn = rn_ref[...]
    wh = wh_ref[...]
    wn = wn_ref[...]
    iot = lax.broadcasted_iota(jnp.int32, (_BLK, _HALF), 1)

    def half_argmin(lo):
        mm = lax.dot_general(zbh, wh[lo:lo + _HALF, :], (((1,), (1,)), ((), ())),
                             preferred_element_type=jnp.float32)
        dist = (rn + wn[:, lo:lo + _HALF]) - 2.0 * mm
        cmin = jnp.min(dist, axis=1, keepdims=True)
        cidx = jnp.min(jnp.where(dist == cmin, iot, _NE),
                       axis=1, keepdims=True) + lo
        return cmin, cidx

    m0, i0 = half_argmin(0)
    m1, i1 = half_argmin(_HALF)
    r = m0.astype(jnp.bfloat16).astype(jnp.float32)
    best = jnp.where(m1 < r, i1, i0)
    idx_ref[...] = best.reshape(1, _BLK // _GCH, _GCH)


def _sc_gather(idx_hbm, w_hbm, out_hbm, idx_v, rows_v, sem):
    wid = lax.axis_index("s") * 2 + lax.axis_index("c")
    rbase = wid * (_RPW // _GCH)
    pltpu.sync_copy(idx_hbm.at[pl.ds(rbase, _RPW // _GCH)], idx_v)
    for ch in range(_RPW // _CCH):
        copies = []
        for j in range(_CCH // _GCH):
            g = ch * (_CCH // _GCH) + j
            copies.append(pltpu.async_copy(
                w_hbm.at[idx_v.at[g]], rows_v.at[pl.ds(j * _GCH, _GCH)], sem))
        for cp in copies:
            cp.wait()
        pltpu.sync_copy(rows_v,
                        out_hbm.at[pl.ds(wid * _RPW + ch * _CCH, _CCH)])


def _st_loss_block(z_ref, zq_ref, out_ref, loss_ref):
    zb = z_ref[0]
    zq = jnp.transpose(zq_ref[:, :_D])
    out_ref[0] = zb + (zq - zb)
    blk_sum = jnp.sum((zq - zb) ** 2, keepdims=True)

    @pl.when(pl.program_id(0) == 0)
    def _init():
        loss_ref[...] = jnp.zeros((1, 1), jnp.float32)

    loss_ref[...] += blk_sum

    @pl.when(pl.program_id(0) == _NB_B - 1)
    def _finish():
        loss_ref[...] = loss_ref[...] * ((1.0 + _COMMIT) / (_N * _D))


def kernel(z, W):
    b, c, h, w = z.shape
    z_channel_last = jnp.transpose(z, (0, 2, 3, 1))
    z_flat = z_channel_last.reshape(-1, _D)
    rn = jnp.sum(z_flat ** 2, axis=1, keepdims=True)
    wn = jnp.sum(W ** 2, axis=1, keepdims=True).T
    z_flat_bf16 = z_flat.astype(jnp.bfloat16)
    w_hi = W.astype(jnp.bfloat16)

    idx2 = pl.pallas_call(
        _argmin_block,
        grid=(_NB,),
        in_specs=[
            pl.BlockSpec((_BLK, _D), lambda i: (i, 0)),
            pl.BlockSpec((_BLK, 1), lambda i: (i, 0)),
            pl.BlockSpec((1, _NE), lambda i: (0, 0)),
            pl.BlockSpec((_NE, _D), lambda i: (0, 0)),
        ],
        out_specs=pl.BlockSpec((1, _BLK // _GCH, _GCH), lambda i: (i, 0, 0)),
        out_shape=jax.ShapeDtypeStruct((_NB, _BLK // _GCH, _GCH), jnp.int32),
        compiler_params=pltpu.CompilerParams(
            dimension_semantics=("arbitrary",),
        ),
    )(z_flat_bf16, rn, wn, w_hi)
    idx2 = idx2.reshape(_N // _GCH, _GCH)

    w_pad = jnp.pad(W, ((0, 0), (0, _DP - _D)))

    sc_gather = functools.partial(
        pl.kernel,
        mesh=plsc.VectorSubcoreMesh(core_axis_name="c", subcore_axis_name="s"),
        out_type=jax.ShapeDtypeStruct((_N, _DP), jnp.float32),
        scratch_types=[
            pltpu.VMEM((_RPW // _GCH, _GCH), jnp.int32),
            pltpu.VMEM((_CCH, _DP), jnp.float32),
            pltpu.SemaphoreType.DMA,
        ],
    )(_sc_gather)
    zq_flat = sc_gather(idx2, w_pad)

    z_native = z.reshape(b, _D, _HW)
    zq_st_n, loss11 = pl.pallas_call(
        _st_loss_block,
        grid=(_NB_B,),
        in_specs=[
            pl.BlockSpec((1, _D, _HW), lambda i: (i, 0, 0)),
            pl.BlockSpec((_HW, _DP), lambda i: (i, 0)),
        ],
        out_specs=[
            pl.BlockSpec((1, _D, _HW), lambda i: (i, 0, 0)),
            pl.BlockSpec((1, 1), lambda i: (0, 0)),
        ],
        out_shape=[
            jax.ShapeDtypeStruct((b, _D, _HW), jnp.float32),
            jax.ShapeDtypeStruct((1, 1), jnp.float32),
        ],
        compiler_params=pltpu.CompilerParams(
            dimension_semantics=("arbitrary",),
        ),
    )(z_native, zq_flat)

    z_q_st = zq_st_n.reshape(b, c, h, w)
    return (z_q_st, loss11[0, 0], idx2.reshape(-1))

# --- scband reference (transcript-rebuilt; emitter-appended) ---
"""Pipeline reference for scband-vector-quantizer-51857435131966 (READ-ONLY COPY).

The authoritative reference and input builder live on the scoring server;
editing this copy changes nothing except your own understanding.
"""

import jax, jax.numpy as jnp
import numpy as np

NUM_EMBEDDINGS = 8192
EMBEDDING_DIM = 32
COMMITMENT_COST = 0.25


def setup_inputs(seed: int = 0) -> dict:
    key = jax.random.key(seed)
    k1, k2 = jax.random.split(key)
    z = jax.random.normal(k1, (64, EMBEDDING_DIM, 32, 32), dtype=jnp.float32)
    W = jax.random.uniform(k2, (NUM_EMBEDDINGS, EMBEDDING_DIM), dtype=jnp.float32,
                           minval=-1.0 / NUM_EMBEDDINGS, maxval=1.0 / NUM_EMBEDDINGS)
    return {"z": z, "W": W}


def reference(z, W):
    b, c, h, w = z.shape
    assert c == EMBEDDING_DIM
    assert h == w
    z_channel_last = jnp.transpose(z, (0, 2, 3, 1))
    z_flat = z_channel_last.reshape(-1, EMBEDDING_DIM)
    distances = (jnp.sum(z_flat ** 2, axis=1, keepdims=True)
                 + jnp.sum(W ** 2, axis=1, keepdims=True).T
                 - 2.0 * jnp.matmul(z_flat, W.T))
    encoding_indices = jnp.argmin(distances, axis=1)
    z_q = jnp.take(W, encoding_indices, axis=0)
    z_q = z_q.reshape(b, h, w, EMBEDDING_DIM)
    z_q = jnp.transpose(z_q, (0, 3, 1, 2))
    q_latent_loss = jnp.mean((jax.lax.stop_gradient(z_q) - z) ** 2)
    e_latent_loss = jnp.mean((z_q - jax.lax.stop_gradient(z)) ** 2)
    loss = q_latent_loss + COMMITMENT_COST * e_latent_loss
    z_q_st = z + jax.lax.stop_gradient(z_q - z)
    return (z_q_st, loss, encoding_indices)

if __name__ == "__main__":
    import jax
    _d = setup_inputs()
    print(jax.jit(kernel)(*tuple(_d.values())))

</pallas_src>

<mosaic_0001>
#map = affine_map<(d0, d1) -> (0, 0)>
module attributes {stable_mosaic.version = 14 : i64} {
  func.func @_sc_gather(%arg0: i32, %arg1: i32, %arg2: memref<512x128xi32, #tpu.memory_space<hbm>>, %arg3: memref<8192x128xf32, #tpu.memory_space<hbm>>, %arg4: memref<65536x128xf32, #tpu.memory_space<hbm>>, %arg5: memref<16x128xi32, #tpu.memory_space<vmem>>, %arg6: memref<512x128xf32, #tpu.memory_space<vmem>>, %arg7: memref<!tpu.dma_semaphore, #tpu.memory_space<semaphore_mem>>) attributes {dimension_semantics = [#tpu.dimension_semantics<core_parallel>, #tpu.dimension_semantics<subcore_parallel>], iteration_bounds = array<i64: 2, 16>, scalar_prefetch = 0 : i64, scratch_operands = 3 : i64, tpu.core_type = #tpu.core_type<sc_vector_subcore>, window_params = [{transform_indices = #map}, {transform_indices = #map}, {transform_indices = #map}]} {
    %mul3A = arith.constant 2 : i32
    %mul3A_0 = arith.muli %arg1, %mul3A : i32
    %add3A = arith.addi %mul3A_0, %arg0 : i32
    %mul3A_1 = arith.constant 16 : i32
    %mul3A_2 = arith.muli %add3A, %mul3A_1 : i32
    "tpu.region"() ({
      %run_scoped3A = tpu.sem_alloc : memref<!tpu.dma_semaphore, #tpu.memory_space<semaphore_mem>>
      %dma_start3A_337 = arith.constant 0 : i32
      %dma_start3A_338 = tpu.memref_slice %arg2[%mul3A_2, %dma_start3A_337] : memref<512x128xi32, #tpu.memory_space<hbm>> -> memref<16x128xi32, #tpu.memory_space<hbm>>
      %dma_start3A_339 = arith.constant 0 : i32
      %dma_start3A_340 = tpu.memref_slice %arg2[%mul3A_2, %dma_start3A_339] : memref<512x128xi32, #tpu.memory_space<hbm>> -> memref<16x128xi32, #tpu.memory_space<hbm>>
      tpu.enqueue_dma source(%dma_start3A_340 : memref<16x128xi32, #tpu.memory_space<hbm>>) target(%arg5 : memref<16x128xi32, #tpu.memory_space<vmem>>) target_semaphore(%run_scoped3A : memref<!tpu.dma_semaphore, #tpu.memory_space<semaphore_mem>>)
      %dma_wait3A_341 = arith.constant 0 : i32
      %dma_wait3A_342 = tpu.memref_slice %arg2[%mul3A_2, %dma_wait3A_341] : memref<512x128xi32, #tpu.memory_space<hbm>> -> memref<16x128xi32, #tpu.memory_space<hbm>>
      %dma_wait3A_343 = arith.constant 0 : i32
      %dma_wait3A_344 = tpu.memref_slice %arg2[%mul3A_2, %dma_wait3A_343] : memref<512x128xi32, #tpu.memory_space<hbm>> -> memref<16x128xi32, #tpu.memory_space<hbm>>
      tpu.wait_dma2 semaphore(%run_scoped3A : memref<!tpu.dma_semaphore, #tpu.memory_space<semaphore_mem>>) src(%dma_wait3A_344 : memref<16x128xi32, #tpu.memory_space<hbm>>) dst(%arg5 : memref<16x128xi32, #tpu.memory_space<vmem>>)
      tpu.yield
    }) : () -> ()
    %dma_start3A = arith.constant 0 : i32
    %dma_start3A_3 = arith.constant 0 : i32
    %dma_start3A_4 = arith.constant 0 : i32
    %dma_start3A_5 = tpu.memref_slice %arg6[%dma_start3A_3, %dma_start3A_4] : memref<512x128xf32, #tpu.memory_space<vmem>> -> memref<128x128xf32, #tpu.memory_space<vmem>>
    %dma_start3A_6 = arith.constant 0 : i32
    %dma_start3A_7 = tpu.memref_slice %arg5[%dma_start3A, %dma_start3A_6] : memref<16x128xi32, #tpu.memory_space<vmem>> -> memref<1x128xi32, #tpu.memory_space<vmem>>
    %dma_start3A_8 = tpu.memref_squeeze %dma_start3A_7 : memref<1x128xi32, #tpu.memory_space<vmem>> -> memref<128xi32, #tpu.memory_space<vmem>>
    %dma_start3A_9 = arith.constant 0 : i32
    %dma_start3A_10 = arith.constant 0 : i32
    %dma_start3A_11 = tpu.memref_slice %arg3[%dma_start3A_9, %dma_start3A_10] : memref<8192x128xf32, #tpu.memory_space<hbm>> -> memref<8192x128xf32, #tpu.memory_space<hbm>>
    tpu.enqueue_indirect_dma source(%dma_start3A_11 : memref<8192x128xf32, #tpu.memory_space<hbm>>) target(%dma_start3A_5 : memref<128x128xf32, #tpu.memory_space<vmem>>) offsets(%dma_start3A_8 : memref<128xi32, #tpu.memory_space<vmem>>) semaphore(%arg7 : memref<!tpu.dma_semaphore, #tpu.memory_space<semaphore_mem>>)
    %dma_start3A_12 = arith.constant 1 : i32
    %dma_start3A_13 = arith.constant 128 : i32
    %dma_start3A_14 = arith.constant 0 : i32
    %dma_start3A_15 = tpu.memref_slice %arg6[%dma_start3A_13, %dma_start3A_14] : memref<512x128xf32, #tpu.memory_space<vmem>> -> memref<128x128xf32, #tpu.memory_space<vmem>>
    %dma_start3A_16 = arith.constant 0 : i32
    %dma_start3A_17 = tpu.memref_slice %arg5[%dma_start3A_12, %dma_start3A_16] : memref<16x128xi32, #tpu.memory_space<vmem>> -> memref<1x128xi32, #tpu.memory_space<vmem>>
    %dma_start3A_18 = tpu.memref_squeeze %dma_start3A_17 : memref<1x128xi32, #tpu.memory_space<vmem>> -> memref<128xi32, #tpu.memory_space<vmem>>
    %dma_start3A_19 = arith.constant 0 : i32
    %dma_start3A_20 = arith.constant 0 : i32
    %dma_start3A_21 = tpu.memref_slice %arg3[%dma_start3A_19, %dma_start3A_20] : memref<8192x128xf32, #tpu.memory_space<hbm>> -> memref<8192x128xf32, #tpu.memory_space<hbm>>
    tpu.enqueue_indirect_dma source(%dma_start3A_21 : memref<8192x128xf32, #tpu.memory_space<hbm>>) target(%dma_start3A_15 : memref<128x128xf32, #tpu.memory_space<vmem>>) offsets(%dma_start3A_18 : memref<128xi32, #tpu.memory_space<vmem>>) semaphore(%arg7 : memref<!tpu.dma_semaphore, #tpu.memory_space<semaphore_mem>>)
    %dma_start3A_22 = arith.constant 2 : i32
    %dma_start3A_23 = arith.constant 256 : i32
    %dma_start3A_24 = arith.constant 0 : i32
    %dma_start3A_25 = tpu.memref_slice %arg6[%dma_start3A_23, %dma_start3A_24] : memref<512x128xf32, #tpu.memory_space<vmem>> -> memref<128x128xf32, #tpu.memory_space<vmem>>
    %dma_start3A_26 = arith.constant 0 : i32
    %dma_start3A_27 = tpu.memref_slice %arg5[%dma_start3A_22, %dma_start3A_26] : memref<16x128xi32, #tpu.memory_space<vmem>> -> memref<1x128xi32, #tpu.memory_space<vmem>>
    %dma_start3A_28 = tpu.memref_squeeze %dma_start3A_27 : memref<1x128xi32, #tpu.memory_space<vmem>> -> memref<128xi32, #tpu.memory_space<vmem>>
    %dma_start3A_29 = arith.constant 0 : i32
    %dma_start3A_30 = arith.constant 0 : i32
    %dma_start3A_31 = tpu.memref_slice %arg3[%dma_start3A_29, %dma_start3A_30] : memref<8192x128xf32, #tpu.memory_space<hbm>> -> memref<8192x128xf32, #tpu.memory_space<hbm>>
    tpu.enqueue_indirect_dma source(%dma_start3A_31 : memref<8192x128xf32, #tpu.memory_space<hbm>>) target(%dma_start3A_25 : memref<128x128xf32, #tpu.memory_space<vmem>>) offsets(%dma_start3A_28 : memref<128xi32, #tpu.memory_space<vmem>>) semaphore(%arg7 : memref<!tpu.dma_semaphore, #tpu.memory_space<semaphore_mem>>)
    %dma_start3A_32 = arith.constant 3 : i32
    %dma_start3A_33 = arith.constant 384 : i32
    %dma_start3A_34 = arith.constant 0 : i32
    %dma_start3A_35 = tpu.memref_slice %arg6[%dma_start3A_33, %dma_start3A_34] : memref<512x128xf32, #tpu.memory_space<vmem>> -> memref<128x128xf32, #tpu.memory_space<vmem>>
    %dma_start3A_36 = arith.constant 0 : i32
    %dma_start3A_37 = tpu.memref_slice %arg5[%dma_start3A_32, %dma_start3A_36] : memref<16x128xi32, #tpu.memory_space<vmem>> -> memref<1x128xi32, #tpu.memory_space<vmem>>
    %dma_start3A_38 = tpu.memref_squeeze %dma_start3A_37 : memref<1x128xi32, #tpu.memory_space<vmem>> -> memref<128xi32, #tpu.memory_space<vmem>>
    %dma_start3A_39 = arith.constant 0 : i32
    %dma_start3A_40 = arith.constant 0 : i32
    %dma_start3A_41 = tpu.memref_slice %arg3[%dma_start3A_39, %dma_start3A_40] : memref<8192x128xf32, #tpu.memory_space<hbm>> -> memref<8192x128xf32, #tpu.memory_space<hbm>>
    tpu.enqueue_indirect_dma source(%dma_start3A_41 : memref<8192x128xf32, #tpu.memory_space<hbm>>) target(%dma_start3A_35 : memref<128x128xf32, #tpu.memory_space<vmem>>) offsets(%dma_start3A_38 : memref<128xi32, #tpu.memory_space<vmem>>) semaphore(%arg7 : memref<!tpu.dma_semaphore, #tpu.memory_space<semaphore_mem>>)
    %dma_wait3A = arith.constant 0 : i32
    %dma_wait3A_42 = arith.constant 0 : i32
    %dma_wait3A_43 = arith.constant 0 : i32
    %dma_wait3A_44 = tpu.memref_slice %arg6[%dma_wait3A_42, %dma_wait3A_43] : memref<512x128xf32, #tpu.memory_space<vmem>> -> memref<128x128xf32, #tpu.memory_space<vmem>>
    %dma_wait3A_45 = arith.constant 0 : i32
    %dma_wait3A_46 = tpu.memref_slice %arg5[%dma_wait3A, %dma_wait3A_45] : memref<16x128xi32, #tpu.memory_space<vmem>> -> memref<1x128xi32, #tpu.memory_space<vmem>>
    %dma_wait3A_47 = tpu.memref_squeeze %dma_wait3A_46 : memref<1x128xi32, #tpu.memory_space<vmem>> -> memref<128xi32, #tpu.memory_space<vmem>>
    %dma_wait3A_48 = arith.constant 0 : i32
    %dma_wait3A_49 = arith.constant 0 : i32
    %dma_wait3A_50 = tpu.memref_slice %arg3[%dma_wait3A_48, %dma_wait3A_49] : memref<8192x128xf32, #tpu.memory_space<hbm>> -> memref<8192x128xf32, #tpu.memory_space<hbm>>
    tpu.wait_indirect_dma semaphore(%arg7 : memref<!tpu.dma_semaphore, #tpu.memory_space<semaphore_mem>>) src(%dma_wait3A_50 : memref<8192x128xf32, #tpu.memory_space<hbm>>) dst(%dma_wait3A_44 : memref<128x128xf32, #tpu.memory_space<vmem>>)
    %dma_wait3A_51 = arith.constant 1 : i32
    %dma_wait3A_52 = arith.constant 128 : i32
    %dma_wait3A_53 = arith.constant 0 : i32
    %dma_wait3A_54 = tpu.memref_slice %arg6[%dma_wait3A_52, %dma_wait3A_53] : memref<512x128xf32, #tpu.memory_space<vmem>> -> memref<128x128xf32, #tpu.memory_space<vmem>>
    %dma_wait3A_55 = arith.constant 0 : i32
    %dma_wait3A_56 = tpu.memref_slice %arg5[%dma_wait3A_51, %dma_wait3A_55] : memref<16x128xi32, #tpu.memory_space<vmem>> -> memref<1x128xi32, #tpu.memory_space<vmem>>
    %dma_wait3A_57 = tpu.memref_squeeze %dma_wait3A_56 : memref<1x128xi32, #tpu.memory_space<vmem>> -> memref<128xi32, #tpu.memory_space<vmem>>
    %dma_wait3A_58 = arith.constant 0 : i32
    %dma_wait3A_59 = arith.constant 0 : i32
    %dma_wait3A_60 = tpu.memref_slice %arg3[%dma_wait3A_58, %dma_wait3A_59] : memref<8192x128xf32, #tpu.memory_space<hbm>> -> memref<8192x128xf32, #tpu.memory_space<hbm>>
    tpu.wait_indirect_dma semaphore(%arg7 : memref<!tpu.dma_semaphore, #tpu.memory_space<semaphore_mem>>) src(%dma_wait3A_60 : memref<8192x128xf32, #tpu.memory_space<hbm>>) dst(%dma_wait3A_54 : memref<128x128xf32, #tpu.memory_space<vmem>>)
    %dma_wait3A_61 = arith.constant 2 : i32
    %dma_wait3A_62 = arith.constant 256 : i32
    %dma_wait3A_63 = arith.constant 0 : i32
    %dma_wait3A_64 = tpu.memref_slice %arg6[%dma_wait3A_62, %dma_wait3A_63] : memref<512x128xf32, #tpu.memory_space<vmem>> -> memref<128x128xf32, #tpu.memory_space<vmem>>
    %dma_wait3A_65 = arith.constant 0 : i32
    %dma_wait3A_66 = tpu.memref_slice %arg5[%dma_wait3A_61, %dma_wait3A_65] : memref<16x128xi32, #tpu.memory_space<vmem>> -> memref<1x128xi32, #tpu.memory_space<vmem>>
    %dma_wait3A_67 = tpu.memref_squeeze %dma_wait3A_66 : memref<1x128xi32, #tpu.memory_space<vmem>> -> memref<128xi32, #tpu.memory_space<vmem>>
    %dma_wait3A_68 = arith.constant 0 : i32
    %dma_wait3A_69 = arith.constant 0 : i32
    %dma_wait3A_70 = tpu.memref_slice %arg3[%dma_wait3A_68, %dma_wait3A_69] : memref<8192x128xf32, #tpu.memory_space<hbm>> -> memref<8192x128xf32, #tpu.memory_space<hbm>>
    tpu.wait_indirect_dma semaphore(%arg7 : memref<!tpu.dma_semaphore, #tpu.memory_space<semaphore_mem>>) src(%dma_wait3A_70 : memref<8192x128xf32, #tpu.memory_space<hbm>>) dst(%dma_wait3A_64 : memref<128x128xf32, #tpu.memory_space<vmem>>)
    %dma_wait3A_71 = arith.constant 3 : i32
    %dma_wait3A_72 = arith.constant 384 : i32
    %dma_wait3A_73 = arith.constant 0 : i32
    %dma_wait3A_74 = tpu.memref_slice %arg6[%dma_wait3A_72, %dma_wait3A_73] : memref<512x128xf32, #tpu.memory_space<vmem>> -> memref<128x128xf32, #tpu.memory_space<vmem>>
    %dma_wait3A_75 = arith.constant 0 : i32
    %dma_wait3A_76 = tpu.memref_slice %arg5[%dma_wait3A_71, %dma_wait3A_75] : memref<16x128xi32, #tpu.memory_space<vmem>> -> memref<1x128xi32, #tpu.memory_space<vmem>>
    %dma_wait3A_77 = tpu.memref_squeeze %dma_wait3A_76 : memref<1x128xi32, #tpu.memory_space<vmem>> -> memref<128xi32, #tpu.memory_space<vmem>>
    %dma_wait3A_78 = arith.constant 0 : i32
    %dma_wait3A_79 = arith.constant 0 : i32
    %dma_wait3A_80 = tpu.memref_slice %arg3[%dma_wait3A_78, %dma_wait3A_79] : memref<8192x128xf32, #tpu.memory_space<hbm>> -> memref<8192x128xf32, #tpu.memory_space<hbm>>
    tpu.wait_indirect_dma semaphore(%arg7 : memref<!tpu.dma_semaphore, #tpu.memory_space<semaphore_mem>>) src(%dma_wait3A_80 : memref<8192x128xf32, #tpu.memory_space<hbm>>) dst(%dma_wait3A_74 : memref<128x128xf32, #tpu.memory_space<vmem>>)
    %mul3A_81 = arith.constant 2048 : i32
    %mul3A_82 = arith.muli %add3A, %mul3A_81 : i32
    %add3A_83 = arith.constant 0 : i32
    %add3A_84 = arith.addi %mul3A_82, %add3A_83 : i32
    "tpu.region"() ({
      %run_scoped3A = tpu.sem_alloc : memref<!tpu.dma_semaphore, #tpu.memory_space<semaphore_mem>>
      %dma_start3A_337 = arith.constant 0 : i32
      %dma_start3A_338 = tpu.memref_slice %arg4[%add3A_84, %dma_start3A_337] : memref<65536x128xf32, #tpu.memory_space<hbm>> -> memref<512x128xf32, #tpu.memory_space<hbm>>
      %dma_start3A_339 = arith.constant 0 : i32
      %dma_start3A_340 = tpu.memref_slice %arg4[%add3A_84, %dma_start3A_339] : memref<65536x128xf32, #tpu.memory_space<hbm>> -> memref<512x128xf32, #tpu.memory_space<hbm>>
      tpu.enqueue_dma source(%arg6 : memref<512x128xf32, #tpu.memory_space<vmem>>) target(%dma_start3A_340 : memref<512x128xf32, #tpu.memory_space<hbm>>) target_semaphore(%run_scoped3A : memref<!tpu.dma_semaphore, #tpu.memory_space<semaphore_mem>>)
      %dma_wait3A_341 = arith.constant 0 : i32
      %dma_wait3A_342 = tpu.memref_slice %arg4[%add3A_84, %dma_wait3A_341] : memref<65536x128xf32, #tpu.memory_space<hbm>> -> memref<512x128xf32, #tpu.memory_space<hbm>>
      %dma_wait3A_343 = arith.constant 0 : i32
      %dma_wait3A_344 = tpu.memref_slice %arg4[%add3A_84, %dma_wait3A_343] : memref<65536x128xf32, #tpu.memory_space<hbm>> -> memref<512x128xf32, #tpu.memory_space<hbm>>
      tpu.wait_dma2 semaphore(%run_scoped3A : memref<!tpu.dma_semaphore, #tpu.memory_space<semaphore_mem>>) src(%arg6 : memref<512x128xf32, #tpu.memory_space<vmem>>) dst(%dma_wait3A_344 : memref<512x128xf32, #tpu.memory_space<hbm>>)
      tpu.yield
    }) : () -> ()
    %dma_start3A_85 = arith.constant 4 : i32
    %dma_start3A_86 = arith.constant 0 : i32
    %dma_start3A_87 = arith.constant 0 : i32
    %dma_start3A_88 = tpu.memref_slice %arg6[%dma_start3A_86, %dma_start3A_87] : memref<512x128xf32, #tpu.memory_space<vmem>> -> memref<128x128xf32, #tpu.memory_space<vmem>>
    %dma_start3A_89 = arith.constant 0 : i32
    %dma_start3A_90 = tpu.memref_slice %arg5[%dma_start3A_85, %dma_start3A_89] : memref<16x128xi32, #tpu.memory_space<vmem>> -> memref<1x128xi32, #tpu.memory_space<vmem>>
    %dma_start3A_91 = tpu.memref_squeeze %dma_start3A_90 : memref<1x128xi32, #tpu.memory_space<vmem>> -> memref<128xi32, #tpu.memory_space<vmem>>
    %dma_start3A_92 = arith.constant 0 : i32
    %dma_start3A_93 = arith.constant 0 : i32
    %dma_start3A_94 = tpu.memref_slice %arg3[%dma_start3A_92, %dma_start3A_93] : memref<8192x128xf32, #tpu.memory_space<hbm>> -> memref<8192x128xf32, #tpu.memory_space<hbm>>
    tpu.enqueue_indirect_dma source(%dma_start3A_94 : memref<8192x128xf32, #tpu.memory_space<hbm>>) target(%dma_start3A_88 : memref<128x128xf32, #tpu.memory_space<vmem>>) offsets(%dma_start3A_91 : memref<128xi32, #tpu.memory_space<vmem>>) semaphore(%arg7 : memref<!tpu.dma_semaphore, #tpu.memory_space<semaphore_mem>>)
    %dma_start3A_95 = arith.constant 5 : i32
    %dma_start3A_96 = arith.constant 128 : i32
    %dma_start3A_97 = arith.constant 0 : i32
    %dma_start3A_98 = tpu.memref_slice %arg6[%dma_start3A_96, %dma_start3A_97] : memref<512x128xf32, #tpu.memory_space<vmem>> -> memref<128x128xf32, #tpu.memory_space<vmem>>
    %dma_start3A_99 = arith.constant 0 : i32
    %dma_start3A_100 = tpu.memref_slice %arg5[%dma_start3A_95, %dma_start3A_99] : memref<16x128xi32, #tpu.memory_space<vmem>> -> memref<1x128xi32, #tpu.memory_space<vmem>>
    %dma_start3A_101 = tpu.memref_squeeze %dma_start3A_100 : memref<1x128xi32, #tpu.memory_space<vmem>> -> memref<128xi32, #tpu.memory_space<vmem>>
    %dma_start3A_102 = arith.constant 0 : i32
    %dma_start3A_103 = arith.constant 0 : i32
    %dma_start3A_104 = tpu.memref_slice %arg3[%dma_start3A_102, %dma_start3A_103] : memref<8192x128xf32, #tpu.memory_space<hbm>> -> memref<8192x128xf32, #tpu.memory_space<hbm>>
    tpu.enqueue_indirect_dma source(%dma_start3A_104 : memref<8192x128xf32, #tpu.memory_space<hbm>>) target(%dma_start3A_98 : memref<128x128xf32, #tpu.memory_space<vmem>>) offsets(%dma_start3A_101 : memref<128xi32, #tpu.memory_space<vmem>>) semaphore(%arg7 : memref<!tpu.dma_semaphore, #tpu.memory_space<semaphore_mem>>)
    %dma_start3A_105 = arith.constant 6 : i32
    %dma_start3A_106 = arith.constant 256 : i32
    %dma_start3A_107 = arith.constant 0 : i32
    %dma_start3A_108 = tpu.memref_slice %arg6[%dma_start3A_106, %dma_start3A_107] : memref<512x128xf32, #tpu.memory_space<vmem>> -> memref<128x128xf32, #tpu.memory_space<vmem>>
    %dma_start3A_109 = arith.constant 0 : i32
    %dma_start3A_110 = tpu.memref_slice %arg5[%dma_start3A_105, %dma_start3A_109] : memref<16x128xi32, #tpu.memory_space<vmem>> -> memref<1x128xi32, #tpu.memory_space<vmem>>
    %dma_start3A_111 = tpu.memref_squeeze %dma_start3A_110 : memref<1x128xi32, #tpu.memory_space<vmem>> -> memref<128xi32, #tpu.memory_space<vmem>>
    %dma_start3A_112 = arith.constant 0 : i32
    %dma_start3A_113 = arith.constant 0 : i32
    %dma_start3A_114 = tpu.memref_slice %arg3[%dma_start3A_112, %dma_start3A_113] : memref<8192x128xf32, #tpu.memory_space<hbm>> -> memref<8192x128xf32, #tpu.memory_space<hbm>>
    tpu.enqueue_indirect_dma source(%dma_start3A_114 : memref<8192x128xf32, #tpu.memory_space<hbm>>) target(%dma_start3A_108 : memref<128x128xf32, #tpu.memory_space<vmem>>) offsets(%dma_start3A_111 : memref<128xi32, #tpu.memory_space<vmem>>) semaphore(%arg7 : memref<!tpu.dma_semaphore, #tpu.memory_space<semaphore_mem>>)
    %dma_start3A_115 = arith.constant 7 : i32
    %dma_start3A_116 = arith.constant 384 : i32
    %dma_start3A_117 = arith.constant 0 : i32
    %dma_start3A_118 = tpu.memref_slice %arg6[%dma_start3A_116, %dma_start3A_117] : memref<512x128xf32, #tpu.memory_space<vmem>> -> memref<128x128xf32, #tpu.memory_space<vmem>>
    %dma_start3A_119 = arith.constant 0 : i32
    %dma_start3A_120 = tpu.memref_slice %arg5[%dma_start3A_115, %dma_start3A_119] : memref<16x128xi32, #tpu.memory_space<vmem>> -> memref<1x128xi32, #tpu.memory_space<vmem>>
    %dma_start3A_121 = tpu.memref_squeeze %dma_start3A_120 : memref<1x128xi32, #tpu.memory_space<vmem>> -> memref<128xi32, #tpu.memory_space<vmem>>
    %dma_start3A_122 = arith.constant 0 : i32
    %dma_start3A_123 = arith.constant 0 : i32
    %dma_start3A_124 = tpu.memref_slice %arg3[%dma_start3A_122, %dma_start3A_123] : memref<8192x128xf32, #tpu.memory_space<hbm>> -> memref<8192x128xf32, #tpu.memory_space<hbm>>
    tpu.enqueue_indirect_dma source(%dma_start3A_124 : memref<8192x128xf32, #tpu.memory_space<hbm>>) target(%dma_start3A_118 : memref<128x128xf32, #tpu.memory_space<vmem>>) offsets(%dma_start3A_121 : memref<128xi32, #tpu.memory_space<vmem>>) semaphore(%arg7 : memref<!tpu.dma_semaphore, #tpu.memory_space<semaphore_mem>>)
    %dma_wait3A_125 = arith.constant 4 : i32
    %dma_wait3A_126 = arith.constant 0 : i32
    %dma_wait3A_127 = arith.constant 0 : i32
    %dma_wait3A_128 = tpu.memref_slice %arg6[%dma_wait3A_126, %dma_wait3A_127] : memref<512x128xf32, #tpu.memory_space<vmem>> -> memref<128x128xf32, #tpu.memory_space<vmem>>
    %dma_wait3A_129 = arith.constant 0 : i32
    %dma_wait3A_130 = tpu.memref_slice %arg5[%dma_wait3A_125, %dma_wait3A_129] : memref<16x128xi32, #tpu.memory_space<vmem>> -> memref<1x128xi32, #tpu.memory_space<vmem>>
    %dma_wait3A_131 = tpu.memref_squeeze %dma_wait3A_130 : memref<1x128xi32, #tpu.memory_space<vmem>> -> memref<128xi32, #tpu.memory_space<vmem>>
    %dma_wait3A_132 = arith.constant 0 : i32
    %dma_wait3A_133 = arith.constant 0 : i32
    %dma_wait3A_134 = tpu.memref_slice %arg3[%dma_wait3A_132, %dma_wait3A_133] : memref<8192x128xf32, #tpu.memory_space<hbm>> -> memref<8192x128xf32, #tpu.memory_space<hbm>>
    tpu.wait_indirect_dma semaphore(%arg7 : memref<!tpu.dma_semaphore, #tpu.memory_space<semaphore_mem>>) src(%dma_wait3A_134 : memref<8192x128xf32, #tpu.memory_space<hbm>>) dst(%dma_wait3A_128 : memref<128x128xf32, #tpu.memory_space<vmem>>)
    %dma_wait3A_135 = arith.constant 5 : i32
    %dma_wait3A_136 = arith.constant 128 : i32
    %dma_wait3A_137 = arith.constant 0 : i32
    %dma_wait3A_138 = tpu.memref_slice %arg6[%dma_wait3A_136, %dma_wait3A_137] : memref<512x128xf32, #tpu.memory_space<vmem>> -> memref<128x128xf32, #tpu.memory_space<vmem>>
    %dma_wait3A_139 = arith.constant 0 : i32
    %dma_wait3A_140 = tpu.memref_slice %arg5[%dma_wait3A_135, %dma_wait3A_139] : memref<16x128xi32, #tpu.memory_space<vmem>> -> memref<1x128xi32, #tpu.memory_space<vmem>>
    %dma_wait3A_141 = tpu.memref_squeeze %dma_wait3A_140 : memref<1x128xi32, #tpu.memory_space<vmem>> -> memref<128xi32, #tpu.memory_space<vmem>>
    %dma_wait3A_142 = arith.constant 0 : i32
    %dma_wait3A_143 = arith.constant 0 : i32
    %dma_wait3A_144 = tpu.memref_slice %arg3[%dma_wait3A_142, %dma_wait3A_143] : memref<8192x128xf32, #tpu.memory_space<hbm>> -> memref<8192x128xf32, #tpu.memory_space<hbm>>
    tpu.wait_indirect_dma semaphore(%arg7 : memref<!tpu.dma_semaphore, #tpu.memory_space<semaphore_mem>>) src(%dma_wait3A_144 : memref<8192x128xf32, #tpu.memory_space<hbm>>) dst(%dma_wait3A_138 : memref<128x128xf32, #tpu.memory_space<vmem>>)
    %dma_wait3A_145 = arith.constant 6 : i32
    %dma_wait3A_146 = arith.constant 256 : i32
    %dma_wait3A_147 = arith.constant 0 : i32
    %dma_wait3A_148 = tpu.memref_slice %arg6[%dma_wait3A_146, %dma_wait3A_147] : memref<512x128xf32, #tpu.memory_space<vmem>> -> memref<128x128xf32, #tpu.memory_space<vmem>>
    %dma_wait3A_149 = arith.constant 0 : i32
    %dma_wait3A_150 = tpu.memref_slice %arg5[%dma_wait3A_145, %dma_wait3A_149] : memref<16x128xi32, #tpu.memory_space<vmem>> -> memref<1x128xi32, #tpu.memory_space<vmem>>
    %dma_wait3A_151 = tpu.memref_squeeze %dma_wait3A_150 : memref<1x128xi32, #tpu.memory_space<vmem>> -> memref<128xi32, #tpu.memory_space<vmem>>
    %dma_wait3A_152 = arith.constant 0 : i32
    %dma_wait3A_153 = arith.constant 0 : i32
    %dma_wait3A_154 = tpu.memref_slice %arg3[%dma_wait3A_152, %dma_wait3A_153] : memref<8192x128xf32, #tpu.memory_space<hbm>> -> memref<8192x128xf32, #tpu.memory_space<hbm>>
    tpu.wait_indirect_dma semaphore(%arg7 : memref<!tpu.dma_semaphore, #tpu.memory_space<semaphore_mem>>) src(%dma_wait3A_154 : memref<8192x128xf32, #tpu.memory_space<hbm>>) dst(%dma_wait3A_148 : memref<128x128xf32, #tpu.memory_space<vmem>>)
    %dma_wait3A_155 = arith.constant 7 : i32
    %dma_wait3A_156 = arith.constant 384 : i32
    %dma_wait3A_157 = arith.constant 0 : i32
    %dma_wait3A_158 = tpu.memref_slice %arg6[%dma_wait3A_156, %dma_wait3A_157] : memref<512x128xf32, #tpu.memory_space<vmem>> -> memref<128x128xf32, #tpu.memory_space<vmem>>
    %dma_wait3A_159 = arith.constant 0 : i32
    %dma_wait3A_160 = tpu.memref_slice %arg5[%dma_wait3A_155, %dma_wait3A_159] : memref<16x128xi32, #tpu.memory_space<vmem>> -> memref<1x128xi32, #tpu.memory_space<vmem>>
    %dma_wait3A_161 = tpu.memref_squeeze %dma_wait3A_160 : memref<1x128xi32, #tpu.memory_space<vmem>> -> memref<128xi32, #tpu.memory_space<vmem>>
    %dma_wait3A_162 = arith.constant 0 : i32
    %dma_wait3A_163 = arith.constant 0 : i32
    %dma_wait3A_164 = tpu.memref_slice %arg3[%dma_wait3A_162, %dma_wait3A_163] : memref<8192x128xf32, #tpu.memory_space<hbm>> -> memref<8192x128xf32, #tpu.memory_space<hbm>>
    tpu.wait_indirect_dma semaphore(%arg7 : memref<!tpu.dma_semaphore, #tpu.memory_space<semaphore_mem>>) src(%dma_wait3A_164 : memref<8192x128xf32, #tpu.memory_space<hbm>>) dst(%dma_wait3A_158 : memref<128x128xf32, #tpu.memory_space<vmem>>)
    %mul3A_165 = arith.constant 2048 : i32
    %mul3A_166 = arith.muli %add3A, %mul3A_165 : i32
    %add3A_167 = arith.constant 512 : i32
    %add3A_168 = arith.addi %mul3A_166, %add3A_167 : i32
    "tpu.region"() ({
      %run_scoped3A = tpu.sem_alloc : memref<!tpu.dma_semaphore, #tpu.memory_space<semaphore_mem>>
      %dma_start3A_337 = arith.constant 0 : i32
      %dma_start3A_338 = tpu.memref_slice %arg4[%add3A_168, %dma_start3A_337] : memref<65536x128xf32, #tpu.memory_space<hbm>> -> memref<512x128xf32, #tpu.memory_space<hbm>>
      %dma_start3A_339 = arith.constant 0 : i32
      %dma_start3A_340 = tpu.memref_slice %arg4[%add3A_168, %dma_start3A_339] : memref<65536x128xf32, #tpu.memory_space<hbm>> -> memref<512x128xf32, #tpu.memory_space<hbm>>
      tpu.enqueue_dma source(%arg6 : memref<512x128xf32, #tpu.memory_space<vmem>>) target(%dma_start3A_340 : memref<512x128xf32, #tpu.memory_space<hbm>>) target_semaphore(%run_scoped3A : memref<!tpu.dma_semaphore, #tpu.memory_space<semaphore_mem>>)
      %dma_wait3A_341 = arith.constant 0 : i32
      %dma_wait3A_342 = tpu.memref_slice %arg4[%add3A_168, %dma_wait3A_341] : memref<65536x128xf32, #tpu.memory_space<hbm>> -> memref<512x128xf32, #tpu.memory_space<hbm>>
      %dma_wait3A_343 = arith.constant 0 : i32
      %dma_wait3A_344 = tpu.memref_slice %arg4[%add3A_168, %dma_wait3A_343] : memref<65536x128xf32, #tpu.memory_space<hbm>> -> memref<512x128xf32, #tpu.memory_space<hbm>>
      tpu.wait_dma2 semaphore(%run_scoped3A : memref<!tpu.dma_semaphore, #tpu.memory_space<semaphore_mem>>) src(%arg6 : memref<512x128xf32, #tpu.memory_space<vmem>>) dst(%dma_wait3A_344 : memref<512x128xf32, #tpu.memory_space<hbm>>)
      tpu.yield
    }) : () -> ()
    %dma_start3A_169 = arith.constant 8 : i32
    %dma_start3A_170 = arith.constant 0 : i32
    %dma_start3A_171 = arith.constant 0 : i32
    %dma_start3A_172 = tpu.memref_slice %arg6[%dma_start3A_170, %dma_start3A_171] : memref<512x128xf32, #tpu.memory_space<vmem>> -> memref<128x128xf32, #tpu.memory_space<vmem>>
    %dma_start3A_173 = arith.constant 0 : i32
    %dma_start3A_174 = tpu.memref_slice %arg5[%dma_start3A_169, %dma_start3A_173] : memref<16x128xi32, #tpu.memory_space<vmem>> -> memref<1x128xi32, #tpu.memory_space<vmem>>
    %dma_start3A_175 = tpu.memref_squeeze %dma_start3A_174 : memref<1x128xi32, #tpu.memory_space<vmem>> -> memref<128xi32, #tpu.memory_space<vmem>>
    %dma_start3A_176 = arith.constant 0 : i32
    %dma_start3A_177 = arith.constant 0 : i32
    %dma_start3A_178 = tpu.memref_slice %arg3[%dma_start3A_176, %dma_start3A_177] : memref<8192x128xf32, #tpu.memory_space<hbm>> -> memref<8192x128xf32, #tpu.memory_space<hbm>>
    tpu.enqueue_indirect_dma source(%dma_start3A_178 : memref<8192x128xf32, #tpu.memory_space<hbm>>) target(%dma_start3A_172 : memref<128x128xf32, #tpu.memory_space<vmem>>) offsets(%dma_start3A_175 : memref<128xi32, #tpu.memory_space<vmem>>) semaphore(%arg7 : memref<!tpu.dma_semaphore, #tpu.memory_space<semaphore_mem>>)
    %dma_start3A_179 = arith.constant 9 : i32
    %dma_start3A_180 = arith.constant 128 : i32
    %dma_start3A_181 = arith.constant 0 : i32
    %dma_start3A_182 = tpu.memref_slice %arg6[%dma_start3A_180, %dma_start3A_181] : memref<512x128xf32, #tpu.memory_space<vmem>> -> memref<128x128xf32, #tpu.memory_space<vmem>>
    %dma_start3A_183 = arith.constant 0 : i32
    %dma_start3A_184 = tpu.memref_slice %arg5[%dma_start3A_179, %dma_start3A_183] : memref<16x128xi32, #tpu.memory_space<vmem>> -> memref<1x128xi32, #tpu.memory_space<vmem>>
    %dma_start3A_185 = tpu.memref_squeeze %dma_start3A_184 : memref<1x128xi32, #tpu.memory_space<vmem>> -> memref<128xi32, #tpu.memory_space<vmem>>
    %dma_start3A_186 = arith.constant 0 : i32
    %dma_start3A_187 = arith.constant 0 : i32
    %dma_start3A_188 = tpu.memref_slice %arg3[%dma_start3A_186, %dma_start3A_187] : memref<8192x128xf32, #tpu.memory_space<hbm>> -> memref<8192x128xf32, #tpu.memory_space<hbm>>
    tpu.enqueue_indirect_dma source(%dma_start3A_188 : memref<8192x128xf32, #tpu.memory_space<hbm>>) target(%dma_start3A_182 : memref<128x128xf32, #tpu.memory_space<vmem>>) offsets(%dma_start3A_185 : memref<128xi32, #tpu.memory_space<vmem>>) semaphore(%arg7 : memref<!tpu.dma_semaphore, #tpu.memory_space<semaphore_mem>>)
    %dma_start3A_189 = arith.constant 10 : i32
    %dma_start3A_190 = arith.constant 256 : i32
    %dma_start3A_191 = arith.constant 0 : i32
    %dma_start3A_192 = tpu.memref_slice %arg6[%dma_start3A_190, %dma_start3A_191] : memref<512x128xf32, #tpu.memory_space<vmem>> -> memref<128x128xf32, #tpu.memory_space<vmem>>
    %dma_start3A_193 = arith.constant 0 : i32
    %dma_start3A_194 = tpu.memref_slice %arg5[%dma_start3A_189, %dma_start3A_193] : memref<16x128xi32, #tpu.memory_space<vmem>> -> memref<1x128xi32, #tpu.memory_space<vmem>>
    %dma_start3A_195 = tpu.memref_squeeze %dma_start3A_194 : memref<1x128xi32, #tpu.memory_space<vmem>> -> memref<128xi32, #tpu.memory_space<vmem>>
    %dma_start3A_196 = arith.constant 0 : i32
    %dma_start3A_197 = arith.constant 0 : i32
    %dma_start3A_198 = tpu.memref_slice %arg3[%dma_start3A_196, %dma_start3A_197] : memref<8192x128xf32, #tpu.memory_space<hbm>> -> memref<8192x128xf32, #tpu.memory_space<hbm>>
    tpu.enqueue_indirect_dma source(%dma_start3A_198 : memref<8192x128xf32, #tpu.memory_space<hbm>>) target(%dma_start3A_192 : memref<128x128xf32, #tpu.memory_space<vmem>>) offsets(%dma_start3A_195 : memref<128xi32, #tpu.memory_space<vmem>>) semaphore(%arg7 : memref<!tpu.dma_semaphore, #tpu.memory_space<semaphore_mem>>)
    %dma_start3A_199 = arith.constant 11 : i32
    %dma_start3A_200 = arith.constant 384 : i32
    %dma_start3A_201 = arith.constant 0 : i32
    %dma_start3A_202 = tpu.memref_slice %arg6[%dma_start3A_200, %dma_start3A_201] : memref<512x128xf32, #tpu.memory_space<vmem>> -> memref<128x128xf32, #tpu.memory_space<vmem>>
    %dma_start3A_203 = arith.constant 0 : i32
    %dma_start3A_204 = tpu.memref_slice %arg5[%dma_start3A_199, %dma_start3A_203] : memref<16x128xi32, #tpu.memory_space<vmem>> -> memref<1x128xi32, #tpu.memory_space<vmem>>
    %dma_start3A_205 = tpu.memref_squeeze %dma_start3A_204 : memref<1x128xi32, #tpu.memory_space<vmem>> -> memref<128xi32, #tpu.memory_space<vmem>>
    %dma_start3A_206 = arith.constant 0 : i32
    %dma_start3A_207 = arith.constant 0 : i32
    %dma_start3A_208 = tpu.memref_slice %arg3[%dma_start3A_206, %dma_start3A_207] : memref<8192x128xf32, #tpu.memory_space<hbm>> -> memref<8192x128xf32, #tpu.memory_space<hbm>>
    tpu.enqueue_indirect_dma source(%dma_start3A_208 : memref<8192x128xf32, #tpu.memory_space<hbm>>) target(%dma_start3A_202 : memref<128x128xf32, #tpu.memory_space<vmem>>) offsets(%dma_start3A_205 : memref<128xi32, #tpu.memory_space<vmem>>) semaphore(%arg7 : memref<!tpu.dma_semaphore, #tpu.memory_space<semaphore_mem>>)
    %dma_wait3A_209 = arith.constant 8 : i32
    %dma_wait3A_210 = arith.constant 0 : i32
    %dma_wait3A_211 = arith.constant 0 : i32
    %dma_wait3A_212 = tpu.memref_slice %arg6[%dma_wait3A_210, %dma_wait3A_211] : memref<512x128xf32, #tpu.memory_space<vmem>> -> memref<128x128xf32, #tpu.memory_space<vmem>>
    %dma_wait3A_213 = arith.constant 0 : i32
    %dma_wait3A_214 = tpu.memref_slice %arg5[%dma_wait3A_209, %dma_wait3A_213] : memref<16x128xi32, #tpu.memory_space<vmem>> -> memref<1x128xi32, #tpu.memory_space<vmem>>
    %dma_wait3A_215 = tpu.memref_squeeze %dma_wait3A_214 : memref<1x128xi32, #tpu.memory_space<vmem>> -> memref<128xi32, #tpu.memory_space<vmem>>
    %dma_wait3A_216 = arith.constant 0 : i32
    %dma_wait3A_217 = arith.constant 0 : i32
    %dma_wait3A_218 = tpu.memref_slice %arg3[%dma_wait3A_216, %dma_wait3A_217] : memref<8192x128xf32, #tpu.memory_space<hbm>> -> memref<8192x128xf32, #tpu.memory_space<hbm>>
    tpu.wait_indirect_dma semaphore(%arg7 : memref<!tpu.dma_semaphore, #tpu.memory_space<semaphore_mem>>) src(%dma_wait3A_218 : memref<8192x128xf32, #tpu.memory_space<hbm>>) dst(%dma_wait3A_212 : memref<128x128xf32, #tpu.memory_space<vmem>>)
    %dma_wait3A_219 = arith.constant 9 : i32
    %dma_wait3A_220 = arith.constant 128 : i32
    %dma_wait3A_221 = arith.constant 0 : i32
    %dma_wait3A_222 = tpu.memref_slice %arg6[%dma_wait3A_220, %dma_wait3A_221] : memref<512x128xf32, #tpu.memory_space<vmem>> -> memref<128x128xf32, #tpu.memory_space<vmem>>
    %dma_wait3A_223 = arith.constant 0 : i32
    %dma_wait3A_224 = tpu.memref_slice %arg5[%dma_wait3A_219, %dma_wait3A_223] : memref<16x128xi32, #tpu.memory_space<vmem>> -> memref<1x128xi32, #tpu.memory_space<vmem>>
    %dma_wait3A_225 = tpu.memref_squeeze %dma_wait3A_224 : memref<1x128xi32, #tpu.memory_space<vmem>> -> memref<128xi32, #tpu.memory_space<vmem>>
    %dma_wait3A_226 = arith.constant 0 : i32
    %dma_wait3A_227 = arith.constant 0 : i32
    %dma_wait3A_228 = tpu.memref_slice %arg3[%dma_wait3A_226, %dma_wait3A_227] : memref<8192x128xf32, #tpu.memory_space<hbm>> -> memref<8192x128xf32, #tpu.memory_space<hbm>>
    tpu.wait_indirect_dma semaphore(%arg7 : memref<!tpu.dma_semaphore, #tpu.memory_space<semaphore_mem>>) src(%dma_wait3A_228 : memref<8192x128xf32, #tpu.memory_space<hbm>>) dst(%dma_wait3A_222 : memref<128x128xf32, #tpu.memory_space<vmem>>)
    %dma_wait3A_229 = arith.constant 10 : i32
    %dma_wait3A_230 = arith.constant 256 : i32
    %dma_wait3A_231 = arith.constant 0 : i32
    %dma_wait3A_232 = tpu.memref_slice %arg6[%dma_wait3A_230, %dma_wait3A_231] : memref<512x128xf32, #tpu.memory_space<vmem>> -> memref<128x128xf32, #tpu.memory_space<vmem>>
    %dma_wait3A_233 = arith.constant 0 : i32
    %dma_wait3A_234 = tpu.memref_slice %arg5[%dma_wait3A_229, %dma_wait3A_233] : memref<16x128xi32, #tpu.memory_space<vmem>> -> memref<1x128xi32, #tpu.memory_space<vmem>>
    %dma_wait3A_235 = tpu.memref_squeeze %dma_wait3A_234 : memref<1x128xi32, #tpu.memory_space<vmem>> -> memref<128xi32, #tpu.memory_space<vmem>>
    %dma_wait3A_236 = arith.constant 0 : i32
    %dma_wait3A_237 = arith.constant 0 : i32
    %dma_wait3A_238 = tpu.memref_slice %arg3[%dma_wait3A_236, %dma_wait3A_237] : memref<8192x128xf32, #tpu.memory_space<hbm>> -> memref<8192x128xf32, #tpu.memory_space<hbm>>
    tpu.wait_indirect_dma semaphore(%arg7 : memref<!tpu.dma_semaphore, #tpu.memory_space<semaphore_mem>>) src(%dma_wait3A_238 : memref<8192x128xf32, #tpu.memory_space<hbm>>) dst(%dma_wait3A_232 : memref<128x128xf32, #tpu.memory_space<vmem>>)
    %dma_wait3A_239 = arith.constant 11 : i32
    %dma_wait3A_240 = arith.constant 384 : i32
    %dma_wait3A_241 = arith.constant 0 : i32
    %dma_wait3A_242 = tpu.memref_slice %arg6[%dma_wait3A_240, %dma_wait3A_241] : memref<512x128xf32, #tpu.memory_space<vmem>> -> memref<128x128xf32, #tpu.memory_space<vmem>>
    %dma_wait3A_243 = arith.constant 0 : i32
    %dma_wait3A_244 = tpu.memref_slice %arg5[%dma_wait3A_239, %dma_wait3A_243] : memref<16x128xi32, #tpu.memory_space<vmem>> -> memref<1x128xi32, #tpu.memory_space<vmem>>
    %dma_wait3A_245 = tpu.memref_squeeze %dma_wait3A_244 : memref<1x128xi32, #tpu.memory_space<vmem>> -> memref<128xi32, #tpu.memory_space<vmem>>
    %dma_wait3A_246 = arith.constant 0 : i32
    %dma_wait3A_247 = arith.constant 0 : i32
    %dma_wait3A_248 = tpu.memref_slice %arg3[%dma_wait3A_246, %dma_wait3A_247] : memref<8192x128xf32, #tpu.memory_space<hbm>> -> memref<8192x128xf32, #tpu.memory_space<hbm>>
    tpu.wait_indirect_dma semaphore(%arg7 : memref<!tpu.dma_semaphore, #tpu.memory_space<semaphore_mem>>) src(%dma_wait3A_248 : memref<8192x128xf32, #tpu.memory_space<hbm>>) dst(%dma_wait3A_242 : memref<128x128xf32, #tpu.memory_space<vmem>>)
    %mul3A_249 = arith.constant 2048 : i32
    %mul3A_250 = arith.muli %add3A, %mul3A_249 : i32
    %add3A_251 = arith.constant 1024 : i32
    %add3A_252 = arith.addi %mul3A_250, %add3A_251 : i32
    "tpu.region"() ({
      %run_scoped3A = tpu.sem_alloc : memref<!tpu.dma_semaphore, #tpu.memory_space<semaphore_mem>>
      %dma_start3A_337 = arith.constant 0 : i32
      %dma_start3A_338 = tpu.memref_slice %arg4[%add3A_252, %dma_start3A_337] : memref<65536x128xf32, #tpu.memory_space<hbm>> -> memref<512x128xf32, #tpu.memory_space<hbm>>
      %dma_start3A_339 = arith.constant 0 : i32
      %dma_start3A_340 = tpu.memref_slice %arg4[%add3A_252, %dma_start3A_339] : memref<65536x128xf32, #tpu.memory_space<hbm>> -> memref<512x128xf32, #tpu.memory_space<hbm>>
      tpu.enqueue_dma source(%arg6 : memref<512x128xf32, #tpu.memory_space<vmem>>) target(%dma_start3A_340 : memref<512x128xf32, #tpu.memory_space<hbm>>) target_semaphore(%run_scoped3A : memref<!tpu.dma_semaphore, #tpu.memory_space<semaphore_mem>>)
      %dma_wait3A_341 = arith.constant 0 : i32
      %dma_wait3A_342 = tpu.memref_slice %arg4[%add3A_252, %dma_wait3A_341] : memref<65536x128xf32, #tpu.memory_space<hbm>> -> memref<512x128xf32, #tpu.memory_space<hbm>>
      %dma_wait3A_343 = arith.constant 0 : i32
      %dma_wait3A_344 = tpu.memref_slice %arg4[%add3A_252, %dma_wait3A_343] : memref<65536x128xf32, #tpu.memory_space<hbm>> -> memref<512x128xf32, #tpu.memory_space<hbm>>
      tpu.wait_dma2 semaphore(%run_scoped3A : memref<!tpu.dma_semaphore, #tpu.memory_space<semaphore_mem>>) src(%arg6 : memref<512x128xf32, #tpu.memory_space<vmem>>) dst(%dma_wait3A_344 : memref<512x128xf32, #tpu.memory_space<hbm>>)
      tpu.yield
    }) : () -> ()
    %dma_start3A_253 = arith.constant 12 : i32
    %dma_start3A_254 = arith.constant 0 : i32
    %dma_start3A_255 = arith.constant 0 : i32
    %dma_start3A_256 = tpu.memref_slice %arg6[%dma_start3A_254, %dma_start3A_255] : memref<512x128xf32, #tpu.memory_space<vmem>> -> memref<128x128xf32, #tpu.memory_space<vmem>>
    %dma_start3A_257 = arith.constant 0 : i32
    %dma_start3A_258 = tpu.memref_slice %arg5[%dma_start3A_253, %dma_start3A_257] : memref<16x128xi32, #tpu.memory_space<vmem>> -> memref<1x128xi32, #tpu.memory_space<vmem>>
    %dma_start3A_259 = tpu.memref_squeeze %dma_start3A_258 : memref<1x128xi32, #tpu.memory_space<vmem>> -> memref<128xi32, #tpu.memory_space<vmem>>
    %dma_start3A_260 = arith.constant 0 : i32
    %dma_start3A_261 = arith.constant 0 : i32
    %dma_start3A_262 = tpu.memref_slice %arg3[%dma_start3A_260, %dma_start3A_261] : memref<8192x128xf32, #tpu.memory_space<hbm>> -> memref<8192x128xf32, #tpu.memory_space<hbm>>
    tpu.enqueue_indirect_dma source(%dma_start3A_262 : memref<8192x128xf32, #tpu.memory_space<hbm>>) target(%dma_start3A_256 : memref<128x128xf32, #tpu.memory_space<vmem>>) offsets(%dma_start3A_259 : memref<128xi32, #tpu.memory_space<vmem>>) semaphore(%arg7 : memref<!tpu.dma_semaphore, #tpu.memory_space<semaphore_mem>>)
    %dma_start3A_263 = arith.constant 13 : i32
    %dma_start3A_264 = arith.constant 128 : i32
    %dma_start3A_265 = arith.constant 0 : i32
    %dma_start3A_266 = tpu.memref_slice %arg6[%dma_start3A_264, %dma_start3A_265] : memref<512x128xf32, #tpu.memory_space<vmem>> -> memref<128x128xf32, #tpu.memory_space<vmem>>
    %dma_start3A_267 = arith.constant 0 : i32
    %dma_start3A_268 = tpu.memref_slice %arg5[%dma_start3A_263, %dma_start3A_267] : memref<16x128xi32, #tpu.memory_space<vmem>> -> memref<1x128xi32, #tpu.memory_space<vmem>>
    %dma_start3A_269 = tpu.memref_squeeze %dma_start3A_268 : memref<1x128xi32, #tpu.memory_space<vmem>> -> memref<128xi32, #tpu.memory_space<vmem>>
    %dma_start3A_270 = arith.constant 0 : i32
    %dma_start3A_271 = arith.constant 0 : i32
    %dma_start3A_272 = tpu.memref_slice %arg3[%dma_start3A_270, %dma_start3A_271] : memref<8192x128xf32, #tpu.memory_space<hbm>> -> memref<8192x128xf32, #tpu.memory_space<hbm>>
    tpu.enqueue_indirect_dma source(%dma_start3A_272 : memref<8192x128xf32, #tpu.memory_space<hbm>>) target(%dma_start3A_266 : memref<128x128xf32, #tpu.memory_space<vmem>>) offsets(%dma_start3A_269 : memref<128xi32, #tpu.memory_space<vmem>>) semaphore(%arg7 : memref<!tpu.dma_semaphore, #tpu.memory_space<semaphore_mem>>)
    %dma_start3A_273 = arith.constant 14 : i32
    %dma_start3A_274 = arith.constant 256 : i32
    %dma_start3A_275 = arith.constant 0 : i32
    %dma_start3A_276 = tpu.memref_slice %arg6[%dma_start3A_274, %dma_start3A_275] : memref<512x128xf32, #tpu.memory_space<vmem>> -> memref<128x128xf32, #tpu.memory_space<vmem>>
    %dma_start3A_277 = arith.constant 0 : i32
    %dma_start3A_278 = tpu.memref_slice %arg5[%dma_start3A_273, %dma_start3A_277] : memref<16x128xi32, #tpu.memory_space<vmem>> -> memref<1x128xi32, #tpu.memory_space<vmem>>
    %dma_start3A_279 = tpu.memref_squeeze %dma_start3A_278 : memref<1x128xi32, #tpu.memory_space<vmem>> -> memref<128xi32, #tpu.memory_space<vmem>>
    %dma_start3A_280 = arith.constant 0 : i32
    %dma_start3A_281 = arith.constant 0 : i32
    %dma_start3A_282 = tpu.memref_slice %arg3[%dma_start3A_280, %dma_start3A_281] : memref<8192x128xf32, #tpu.memory_space<hbm>> -> memref<8192x128xf32, #tpu.memory_space<hbm>>
    tpu.enqueue_indirect_dma source(%dma_start3A_282 : memref<8192x128xf32, #tpu.memory_space<hbm>>) target(%dma_start3A_276 : memref<128x128xf32, #tpu.memory_space<vmem>>) offsets(%dma_start3A_279 : memref<128xi32, #tpu.memory_space<vmem>>) semaphore(%arg7 : memref<!tpu.dma_semaphore, #tpu.memory_space<semaphore_mem>>)
    %dma_start3A_283 = arith.constant 15 : i32
    %dma_start3A_284 = arith.constant 384 : i32
    %dma_start3A_285 = arith.constant 0 : i32
    %dma_start3A_286 = tpu.memref_slice %arg6[%dma_start3A_284, %dma_start3A_285] : memref<512x128xf32, #tpu.memory_space<vmem>> -> memref<128x128xf32, #tpu.memory_space<vmem>>
    %dma_start3A_287 = arith.constant 0 : i32
    %dma_start3A_288 = tpu.memref_slice %arg5[%dma_start3A_283, %dma_start3A_287] : memref<16x128xi32, #tpu.memory_space<vmem>> -> memref<1x128xi32, #tpu.memory_space<vmem>>
    %dma_start3A_289 = tpu.memref_squeeze %dma_start3A_288 : memref<1x128xi32, #tpu.memory_space<vmem>> -> memref<128xi32, #tpu.memory_space<vmem>>
    %dma_start3A_290 = arith.constant 0 : i32
    %dma_start3A_291 = arith.constant 0 : i32
    %dma_start3A_292 = tpu.memref_slice %arg3[%dma_start3A_290, %dma_start3A_291] : memref<8192x128xf32, #tpu.memory_space<hbm>> -> memref<8192x128xf32, #tpu.memory_space<hbm>>
    tpu.enqueue_indirect_dma source(%dma_start3A_292 : memref<8192x128xf32, #tpu.memory_space<hbm>>) target(%dma_start3A_286 : memref<128x128xf32, #tpu.memory_space<vmem>>) offsets(%dma_start3A_289 : memref<128xi32, #tpu.memory_space<vmem>>) semaphore(%arg7 : memref<!tpu.dma_semaphore, #tpu.memory_space<semaphore_mem>>)
    %dma_wait3A_293 = arith.constant 12 : i32
    %dma_wait3A_294 = arith.constant 0 : i32
    %dma_wait3A_295 = arith.constant 0 : i32
    %dma_wait3A_296 = tpu.memref_slice %arg6[%dma_wait3A_294, %dma_wait3A_295] : memref<512x128xf32, #tpu.memory_space<vmem>> -> memref<128x128xf32, #tpu.memory_space<vmem>>
    %dma_wait3A_297 = arith.constant 0 : i32
    %dma_wait3A_298 = tpu.memref_slice %arg5[%dma_wait3A_293, %dma_wait3A_297] : memref<16x128xi32, #tpu.memory_space<vmem>> -> memref<1x128xi32, #tpu.memory_space<vmem>>
    %dma_wait3A_299 = tpu.memref_squeeze %dma_wait3A_298 : memref<1x128xi32, #tpu.memory_space<vmem>> -> memref<128xi32, #tpu.memory_space<vmem>>
    %dma_wait3A_300 = arith.constant 0 : i32
    %dma_wait3A_301 = arith.constant 0 : i32
    %dma_wait3A_302 = tpu.memref_slice %arg3[%dma_wait3A_300, %dma_wait3A_301] : memref<8192x128xf32, #tpu.memory_space<hbm>> -> memref<8192x128xf32, #tpu.memory_space<hbm>>
    tpu.wait_indirect_dma semaphore(%arg7 : memref<!tpu.dma_semaphore, #tpu.memory_space<semaphore_mem>>) src(%dma_wait3A_302 : memref<8192x128xf32, #tpu.memory_space<hbm>>) dst(%dma_wait3A_296 : memref<128x128xf32, #tpu.memory_space<vmem>>)
    %dma_wait3A_303 = arith.constant 13 : i32
    %dma_wait3A_304 = arith.constant 128 : i32
    %dma_wait3A_305 = arith.constant 0 : i32
    %dma_wait3A_306 = tpu.memref_slice %arg6[%dma_wait3A_304, %dma_wait3A_305] : memref<512x128xf32, #tpu.memory_space<vmem>> -> memref<128x128xf32, #tpu.memory_space<vmem>>
    %dma_wait3A_307 = arith.constant 0 : i32
    %dma_wait3A_308 = tpu.memref_slice %arg5[%dma_wait3A_303, %dma_wait3A_307] : memref<16x128xi32, #tpu.memory_space<vmem>> -> memref<1x128xi32, #tpu.memory_space<vmem>>
    %dma_wait3A_309 = tpu.memref_squeeze %dma_wait3A_308 : memref<1x128xi32, #tpu.memory_space<vmem>> -> memref<128xi32, #tpu.memory_space<vmem>>
    %dma_wait3A_310 = arith.constant 0 : i32
    %dma_wait3A_311 = arith.constant 0 : i32
    %dma_wait3A_312 = tpu.memref_slice %arg3[%dma_wait3A_310, %dma_wait3A_311] : memref<8192x128xf32, #tpu.memory_space<hbm>> -> memref<8192x128xf32, #tpu.memory_space<hbm>>
    tpu.wait_indirect_dma semaphore(%arg7 : memref<!tpu.dma_semaphore, #tpu.memory_space<semaphore_mem>>) src(%dma_wait3A_312 : memref<8192x128xf32, #tpu.memory_space<hbm>>) dst(%dma_wait3A_306 : memref<128x128xf32, #tpu.memory_space<vmem>>)
    %dma_wait3A_313 = arith.constant 14 : i32
    %dma_wait3A_314 = arith.constant 256 : i32
    %dma_wait3A_315 = arith.constant 0 : i32
    %dma_wait3A_316 = tpu.memref_slice %arg6[%dma_wait3A_314, %dma_wait3A_315] : memref<512x128xf32, #tpu.memory_space<vmem>> -> memref<128x128xf32, #tpu.memory_space<vmem>>
    %dma_wait3A_317 = arith.constant 0 : i32
    %dma_wait3A_318 = tpu.memref_slice %arg5[%dma_wait3A_313, %dma_wait3A_317] : memref<16x128xi32, #tpu.memory_space<vmem>> -> memref<1x128xi32, #tpu.memory_space<vmem>>
    %dma_wait3A_319 = tpu.memref_squeeze %dma_wait3A_318 : memref<1x128xi32, #tpu.memory_space<vmem>> -> memref<128xi32, #tpu.memory_space<vmem>>
    %dma_wait3A_320 = arith.constant 0 : i32
    %dma_wait3A_321 = arith.constant 0 : i32
    %dma_wait3A_322 = tpu.memref_slice %arg3[%dma_wait3A_320, %dma_wait3A_321] : memref<8192x128xf32, #tpu.memory_space<hbm>> -> memref<8192x128xf32, #tpu.memory_space<hbm>>
    tpu.wait_indirect_dma semaphore(%arg7 : memref<!tpu.dma_semaphore, #tpu.memory_space<semaphore_mem>>) src(%dma_wait3A_322 : memref<8192x128xf32, #tpu.memory_space<hbm>>) dst(%dma_wait3A_316 : memref<128x128xf32, #tpu.memory_space<vmem>>)
    %dma_wait3A_323 = arith.constant 15 : i32
    %dma_wait3A_324 = arith.constant 384 : i32
    %dma_wait3A_325 = arith.constant 0 : i32
    %dma_wait3A_326 = tpu.memref_slice %arg6[%dma_wait3A_324, %dma_wait3A_325] : memref<512x128xf32, #tpu.memory_space<vmem>> -> memref<128x128xf32, #tpu.memory_space<vmem>>
    %dma_wait3A_327 = arith.constant 0 : i32
    %dma_wait3A_328 = tpu.memref_slice %arg5[%dma_wait3A_323, %dma_wait3A_327] : memref<16x128xi32, #tpu.memory_space<vmem>> -> memref<1x128xi32, #tpu.memory_space<vmem>>
    %dma_wait3A_329 = tpu.memref_squeeze %dma_wait3A_328 : memref<1x128xi32, #tpu.memory_space<vmem>> -> memref<128xi32, #tpu.memory_space<vmem>>
    %dma_wait3A_330 = arith.constant 0 : i32
    %dma_wait3A_331 = arith.constant 0 : i32
    %dma_wait3A_332 = tpu.memref_slice %arg3[%dma_wait3A_330, %dma_wait3A_331] : memref<8192x128xf32, #tpu.memory_space<hbm>> -> memref<8192x128xf32, #tpu.memory_space<hbm>>
    tpu.wait_indirect_dma semaphore(%arg7 : memref<!tpu.dma_semaphore, #tpu.memory_space<semaphore_mem>>) src(%dma_wait3A_332 : memref<8192x128xf32, #tpu.memory_space<hbm>>) dst(%dma_wait3A_326 : memref<128x128xf32, #tpu.memory_space<vmem>>)
    %mul3A_333 = arith.constant 2048 : i32
    %mul3A_334 = arith.muli %add3A, %mul3A_333 : i32
    %add3A_335 = arith.constant 1536 : i32
    %add3A_336 = arith.addi %mul3A_334, %add3A_335 : i32
    "tpu.region"() ({
      %run_scoped3A = tpu.sem_alloc : memref<!tpu.dma_semaphore, #tpu.memory_space<semaphore_mem>>
      %dma_start3A_337 = arith.constant 0 : i32
      %dma_start3A_338 = tpu.memref_slice %arg4[%add3A_336, %dma_start3A_337] : memref<65536x128xf32, #tpu.memory_space<hbm>> -> memref<512x128xf32, #tpu.memory_space<hbm>>
      %dma_start3A_339 = arith.constant 0 : i32
      %dma_start3A_340 = tpu.memref_slice %arg4[%add3A_336, %dma_start3A_339] : memref<65536x128xf32, #tpu.memory_space<hbm>> -> memref<512x128xf32, #tpu.memory_space<hbm>>
      tpu.enqueue_dma source(%arg6 : memref<512x128xf32, #tpu.memory_space<vmem>>) target(%dma_start3A_340 : memref<512x128xf32, #tpu.memory_space<hbm>>) target_semaphore(%run_scoped3A : memref<!tpu.dma_semaphore, #tpu.memory_space<semaphore_mem>>)
      %dma_wait3A_341 = arith.constant 0 : i32
      %dma_wait3A_342 = tpu.memref_slice %arg4[%add3A_336, %dma_wait3A_341] : memref<65536x128xf32, #tpu.memory_space<hbm>> -> memref<512x128xf32, #tpu.memory_space<hbm>>
      %dma_wait3A_343 = arith.constant 0 : i32
      %dma_wait3A_344 = tpu.memref_slice %arg4[%add3A_336, %dma_wait3A_343] : memref<65536x128xf32, #tpu.memory_space<hbm>> -> memref<512x128xf32, #tpu.memory_space<hbm>>
      tpu.wait_dma2 semaphore(%run_scoped3A : memref<!tpu.dma_semaphore, #tpu.memory_space<semaphore_mem>>) src(%arg6 : memref<512x128xf32, #tpu.memory_space<vmem>>) dst(%dma_wait3A_344 : memref<512x128xf32, #tpu.memory_space<hbm>>)
      tpu.yield
    }) : () -> ()
    return
  }
}

module attributes {stable_mosaic.version = 14 : i64} {
  func.func @_argmin_block(%arg0: i32, %arg1: memref<256x32xbf16, #tpu.memory_space<vmem>>, %arg2: memref<256x1xf32, #tpu.memory_space<vmem>>, %arg3: memref<1x8192xf32, #tpu.memory_space<vmem>>, %arg4: memref<8192x32xbf16, #tpu.memory_space<vmem>>, %arg5: memref<1x2x128xi32, #tpu.memory_space<vmem>>) attributes {dimension_semantics = [#tpu.dimension_semantics<arbitrary>], iteration_bounds = array<i64: 256>, scalar_prefetch = 0 : i64, scratch_operands = 0 : i64, tpu.core_type = #tpu.core_type<tc>, window_params = [{transform_indices = @transform_0, window_bounds = array<i64: 256, 32>}, {transform_indices = @transform_1, window_bounds = array<i64: 256, 1>}, {pipeline_mode = #tpu.pipeline_mode<synchronous>, transform_indices = @transform_2, window_bounds = array<i64: 1, 8192>}, {pipeline_mode = #tpu.pipeline_mode<synchronous>, transform_indices = @transform_3, window_bounds = array<i64: 8192, 32>}, {transform_indices = @transform_4, window_bounds = array<i64: 1, 2, 128>}]} {
    %get3A = arith.constant 0 : index
    %get3A_0 = arith.constant 0 : index
    %get3A_1 = vector.load %arg1[%get3A, %get3A_0] : memref<256x32xbf16, #tpu.memory_space<vmem>>, vector<256x32xbf16>
    %get3A_2 = arith.constant 0 : index
    %get3A_3 = arith.constant 0 : index
    %get3A_4 = vector.load %arg2[%get3A_2, %get3A_3] : memref<256x1xf32, #tpu.memory_space<vmem>>, vector<256x1xf32>
    %get3A_5 = arith.constant 0 : index
    %get3A_6 = arith.constant 0 : index
    %get3A_7 = vector.load %arg4[%get3A_5, %get3A_6] : memref<8192x32xbf16, #tpu.memory_space<vmem>>, vector<8192x32xbf16>
    %get3A_8 = arith.constant 0 : index
    %get3A_9 = arith.constant 0 : index
    %get3A_10 = vector.load %arg3[%get3A_8, %get3A_9] : memref<1x8192xf32, #tpu.memory_space<vmem>>, vector<1x8192xf32>
    %iota3A = tpu.iota {dimensions = array<i32: 1>} : vector<256x4096xi32>
    %slice3A = vector.extract_strided_slice %get3A_7 {offsets = [0, 0], sizes = [4096, 32], strides = [1, 1]} : vector<8192x32xbf16> to vector<4096x32xbf16>
    %dot_general3A = arith.constant dense<0.000000e+00> : vector<256x4096xf32>
    %dot_general3A_11 = tpu.matmul %get3A_1, %slice3A, %dot_general3A {dimension_numbers = #tpu.dot_dimension_numbers<[1], [1], [0], [0], [0, 0, 1, 0], [], []>, transpose_lhs_hint = false} : vector<256x32xbf16>, vector<4096x32xbf16>, vector<256x4096xf32> -> vector<256x4096xf32>
    %slice3A_12 = vector.extract_strided_slice %get3A_10 {offsets = [0, 0], sizes = [1, 4096], strides = [1, 1]} : vector<1x8192xf32> to vector<1x4096xf32>
    %add3A = vector.broadcast %get3A_4 : vector<256x1xf32> to vector<256x4096xf32>
    %add3A_13 = vector.broadcast %slice3A_12 : vector<1x4096xf32> to vector<256x4096xf32>
    %add3A_14 = arith.addf %add3A, %add3A_13 : vector<256x4096xf32>
    %mul3A = arith.constant 2.000000e+00 : f32
    %mul3A_15 = vector.broadcast %mul3A : f32 to vector<256x4096xf32>
    %mul3A_16 = arith.mulf %mul3A_15, %dot_general3A_11 : vector<256x4096xf32>
    %sub3A = arith.subf %add3A_14, %mul3A_16 : vector<256x4096xf32>
    %reduce_min3A = arith.constant dense<0x7F800000> : vector<256xf32>
    %reduce_min3A_17 = vector.multi_reduction <minimumf>, %sub3A, %reduce_min3A [1] : vector<256x4096xf32> to vector<256xf32>
    %broadcast_in_dim3A = vector.shape_cast %reduce_min3A_17 : vector<256xf32> to vector<256x1xf32>
    %eq3A = vector.broadcast %broadcast_in_dim3A : vector<256x1xf32> to vector<256x4096xf32>
    %eq3A_18 = arith.cmpf oeq, %sub3A, %eq3A : vector<256x4096xf32>
    %jit3A = arith.constant 8192 : i32
    %broadcast_in_dim3A_19 = vector.broadcast %jit3A : i32 to vector<256x4096xi32>
    %select_n3A = arith.select %eq3A_18, %iota3A, %broadcast_in_dim3A_19 : vector<256x4096xi1>, vector<256x4096xi32>
    %reduce_min3A_20 = arith.constant dense<2147483647> : vector<256xi32>
    %reduce_min3A_21 = vector.multi_reduction <minsi>, %select_n3A, %reduce_min3A_20 [1] : vector<256x4096xi32> to vector<256xi32>
    %broadcast_in_dim3A_22 = vector.shape_cast %reduce_min3A_21 : vector<256xi32> to vector<256x1xi32>
    %add3A_23 = arith.constant 0 : i32
    %add3A_24 = vector.broadcast %add3A_23 : i32 to vector<256x1xi32>
    %add3A_25 = arith.addi %broadcast_in_dim3A_22, %add3A_24 : vector<256x1xi32>
    %slice3A_26 = vector.extract_strided_slice %get3A_7 {offsets = [4096, 0], sizes = [4096, 32], strides = [1, 1]} : vector<8192x32xbf16> to vector<4096x32xbf16>
    %dot_general3A_27 = arith.constant dense<0.000000e+00> : vector<256x4096xf32>
    %dot_general3A_28 = tpu.matmul %get3A_1, %slice3A_26, %dot_general3A_27 {dimension_numbers = #tpu.dot_dimension_numbers<[1], [1], [0], [0], [0, 0, 1, 0], [], []>, transpose_lhs_hint = false} : vector<256x32xbf16>, vector<4096x32xbf16>, vector<256x4096xf32> -> vector<256x4096xf32>
    %slice3A_29 = vector.extract_strided_slice %get3A_10 {offsets = [0, 4096], sizes = [1, 4096], strides = [1, 1]} : vector<1x8192xf32> to vector<1x4096xf32>
    %add3A_30 = vector.broadcast %get3A_4 : vector<256x1xf32> to vector<256x4096xf32>
    %add3A_31 = vector.broadcast %slice3A_29 : vector<1x4096xf32> to vector<256x4096xf32>
    %add3A_32 = arith.addf %add3A_30, %add3A_31 : vector<256x4096xf32>
    %mul3A_33 = arith.constant 2.000000e+00 : f32
    %mul3A_34 = vector.broadcast %mul3A_33 : f32 to vector<256x4096xf32>
    %mul3A_35 = arith.mulf %mul3A_34, %dot_general3A_28 : vector<256x4096xf32>
    %sub3A_36 = arith.subf %add3A_32, %mul3A_35 : vector<256x4096xf32>
    %reduce_min3A_37 = arith.constant dense<0x7F800000> : vector<256xf32>
    %reduce_min3A_38 = vector.multi_reduction <minimumf>, %sub3A_36, %reduce_min3A_37 [1] : vector<256x4096xf32> to vector<256xf32>
    %broadcast_in_dim3A_39 = vector.shape_cast %reduce_min3A_38 : vector<256xf32> to vector<256x1xf32>
    %eq3A_40 = vector.broadcast %broadcast_in_dim3A_39 : vector<256x1xf32> to vector<256x4096xf32>
    %eq3A_41 = arith.cmpf oeq, %sub3A_36, %eq3A_40 : vector<256x4096xf32>
    %jit3A_42 = arith.constant 8192 : i32
    %broadcast_in_dim3A_43 = vector.broadcast %jit3A_42 : i32 to vector<256x4096xi32>
    %select_n3A_44 = arith.select %eq3A_41, %iota3A, %broadcast_in_dim3A_43 : vector<256x4096xi1>, vector<256x4096xi32>
    %reduce_min3A_45 = arith.constant dense<2147483647> : vector<256xi32>
    %reduce_min3A_46 = vector.multi_reduction <minsi>, %select_n3A_44, %reduce_min3A_45 [1] : vector<256x4096xi32> to vector<256xi32>
    %broadcast_in_dim3A_47 = vector.shape_cast %reduce_min3A_46 : vector<256xi32> to vector<256x1xi32>
    %add3A_48 = arith.constant 4096 : i32
    %add3A_49 = vector.broadcast %add3A_48 : i32 to vector<256x1xi32>
    %add3A_50 = arith.addi %broadcast_in_dim3A_47, %add3A_49 : vector<256x1xi32>
    %convert_element_type3A = arith.truncf %broadcast_in_dim3A : vector<256x1xf32> to vector<256x1xbf16>
    %convert_element_type3A_51 = arith.extf %convert_element_type3A : vector<256x1xbf16> to vector<256x1xf32>
    %lt3A = arith.cmpf olt, %broadcast_in_dim3A_39, %convert_element_type3A_51 : vector<256x1xf32>
    %select_n3A_52 = arith.select %lt3A, %add3A_50, %add3A_25 : vector<256x1xi1>, vector<256x1xi32>
    %reshape3A = vector.shape_cast %select_n3A_52 : vector<256x1xi32> to vector<1x2x128xi32>
    %swap3A = arith.constant 0 : index
    %swap3A_53 = arith.constant 0 : index
    %swap3A_54 = arith.constant 0 : index
    %swap3A_55 = vector.load %arg5[%swap3A, %swap3A_53, %swap3A_54] : memref<1x2x128xi32, #tpu.memory_space<vmem>>, vector<1x2x128xi32>
    tpu.vector_store %arg5[%swap3A, %swap3A_53, %swap3A_54], %reshape3A {strides = array<i32>} : memref<1x2x128xi32, #tpu.memory_space<vmem>>, vector<1x2x128xi32>,
    return
  }
  func.func @transform_0(%arg0: i32) -> (i32, i32) {
    %c0_i32 = arith.constant 0 : i32
    %c0_i32_0 = arith.constant 0 : i32
    return %arg0, %c0_i32 : i32, i32
  }
  func.func @transform_1(%arg0: i32) -> (i32, i32) {
    %c0_i32 = arith.constant 0 : i32
    %c0_i32_0 = arith.constant 0 : i32
    return %arg0, %c0_i32 : i32, i32
  }
  func.func @transform_2(%arg0: i32) -> (i32, i32) {
    %c0_i32 = arith.constant 0 : i32
    %c0_i32_0 = arith.constant 0 : i32
    %c0_i32_1 = arith.constant 0 : i32
    return %c0_i32, %c0_i32_0 : i32, i32
  }
  func.func @transform_3(%arg0: i32) -> (i32, i32) {
    %c0_i32 = arith.constant 0 : i32
    %c0_i32_0 = arith.constant 0 : i32
    %c0_i32_1 = arith.constant 0 : i32
    return %c0_i32, %c0_i32_0 : i32, i32
  }
  func.func @transform_4(%arg0: i32) -> (i32, i32, i32) {
    %c0_i32 = arith.constant 0 : i32
    %c0_i32_0 = arith.constant 0 : i32
    %c0_i32_1 = arith.constant 0 : i32
    return %arg0, %c0_i32, %c0_i32_0 : i32, i32, i32
  }
}

module attributes {stable_mosaic.version = 14 : i64} {
  func.func @_st_loss_block(%arg0: i32, %arg1: memref<1x32x1024xf32, #tpu.memory_space<vmem>>, %arg2: memref<1024x128xf32, #tpu.memory_space<vmem>>, %arg3: memref<1x32x1024xf32, #tpu.memory_space<vmem>>, %arg4: memref<1x1xf32, #tpu.memory_space<vmem>>) attributes {dimension_semantics = [#tpu.dimension_semantics<arbitrary>], iteration_bounds = array<i64: 64>, scalar_prefetch = 0 : i64, scratch_operands = 0 : i64, tpu.core_type = #tpu.core_type<tc>, window_params = [{transform_indices = @transform_0, window_bounds = array<i64: 1, 32, 1024>}, {transform_indices = @transform_1, window_bounds = array<i64: 1024, 128>}, {transform_indices = @transform_2, window_bounds = array<i64: 1, 32, 1024>}, {pipeline_mode = #tpu.pipeline_mode<synchronous>, transform_indices = @transform_3, window_bounds = array<i64: 1, 1>}]} {
    %get3A = arith.constant 0 : index
    %get3A_0 = arith.constant 0 : index
    %get3A_1 = arith.constant 0 : index
    %get3A_2 = vector.load %arg1[%get3A, %get3A_0, %get3A_1] : memref<1x32x1024xf32, #tpu.memory_space<vmem>>, vector<1x32x1024xf32>
    %get3A_3 = vector.shape_cast %get3A_2 : vector<1x32x1024xf32> to vector<32x1024xf32>
    %get3A_4 = arith.constant 0 : index
    %get3A_5 = arith.constant 0 : index
    %get3A_6 = vector.load %arg2[%get3A_4, %get3A_5] : memref<1024x128xf32, #tpu.memory_space<vmem>>, vector<1024x32xf32>
    %transpose3A = tpu.transpose %get3A_6, [1, 0] : vector<1024x32xf32> -> vector<32x1024xf32>
    %sub3A = arith.subf %transpose3A, %get3A_3 : vector<32x1024xf32>
    %add3A = arith.addf %get3A_3, %sub3A : vector<32x1024xf32>
    %swap3A = arith.constant 0 : index
    %swap3A_7 = arith.constant 0 : index
    %swap3A_8 = arith.constant 0 : index
    %swap3A_9 = vector.load %arg3[%swap3A, %swap3A_7, %swap3A_8] : memref<1x32x1024xf32, #tpu.memory_space<vmem>>, vector<1x32x1024xf32>
    %swap3A_10 = vector.shape_cast %swap3A_9 : vector<1x32x1024xf32> to vector<32x1024xf32>
    %swap3A_11 = vector.shape_cast %add3A : vector<32x1024xf32> to vector<1x32x1024xf32>
    tpu.vector_store %arg3[%swap3A, %swap3A_7, %swap3A_8], %swap3A_11 {strides = array<i32>} : memref<1x32x1024xf32, #tpu.memory_space<vmem>>, vector<1x32x1024xf32>,
    %sub3A_12 = arith.subf %transpose3A, %get3A_3 : vector<32x1024xf32>
    %integer_pow3A = arith.mulf %sub3A_12, %sub3A_12 : vector<32x1024xf32>
    %reduce_sum3A = vector.shape_cast %integer_pow3A : vector<32x1024xf32> to vector<1x32x1024xf32>
    %reduce_sum3A_13 = arith.constant dense<0.000000e+00> : vector<1xf32>
    %reduce_sum3A_14 = vector.multi_reduction <add>, %reduce_sum3A, %reduce_sum3A_13 [1, 2] : vector<1x32x1024xf32> to vector<1xf32>
    %reduce_sum3A_15 = vector.shape_cast %reduce_sum3A_14 : vector<1xf32> to vector<1x1x1xf32>
    %reduce_sum3A_16 = vector.extract %reduce_sum3A_15[0, 0, 0] : f32 from vector<1x1x1xf32>
    %broadcast_in_dim3A = vector.broadcast %reduce_sum3A_16 : f32 to vector<1x1xf32>
    %eq3A = arith.constant 0 : i32
    %eq3A_17 = arith.cmpi eq, %arg0, %eq3A : i32
    %convert_element_type3A = arith.extui %eq3A_17 : i1 to i32
    %cond3A = arith.constant 0 : i32
    %cond3A_18 = arith.cmpi ne, %convert_element_type3A, %cond3A : i32
    scf.if %cond3A_18 {
      %broadcast_in_dim3A_31 = arith.constant 0.000000e+00 : f32
      %broadcast_in_dim3A_32 = vector.broadcast %broadcast_in_dim3A_31 : f32 to vector<1x1xf32>
      %swap3A_33 = arith.constant 0 : index
      %swap3A_34 = arith.constant 0 : index
      %swap3A_35 = vector.load %arg4[%swap3A_33, %swap3A_34] : memref<1x1xf32, #tpu.memory_space<vmem>>, vector<1x1xf32>
      tpu.vector_store %arg4[%swap3A_33, %swap3A_34], %broadcast_in_dim3A_32 {strides = array<i32>} : memref<1x1xf32, #tpu.memory_space<vmem>>, vector<1x1xf32>,
    } else {
    }
    %get3A_19 = arith.constant 0 : index
    %get3A_20 = arith.constant 0 : index
    %get3A_21 = vector.load %arg4[%get3A_19, %get3A_20] : memref<1x1xf32, #tpu.memory_space<vmem>>, vector<1x1xf32>
    %add3A_22 = arith.addf %get3A_21, %broadcast_in_dim3A : vector<1x1xf32>
    %swap3A_23 = arith.constant 0 : index
    %swap3A_24 = arith.constant 0 : index
    %swap3A_25 = vector.load %arg4[%swap3A_23, %swap3A_24] : memref<1x1xf32, #tpu.memory_space<vmem>>, vector<1x1xf32>
    tpu.vector_store %arg4[%swap3A_23, %swap3A_24], %add3A_22 {strides = array<i32>} : memref<1x1xf32, #tpu.memory_space<vmem>>, vector<1x1xf32>,
    %eq3A_26 = arith.constant 63 : i32
    %eq3A_27 = arith.cmpi eq, %arg0, %eq3A_26 : i32
    %convert_element_type3A_28 = arith.extui %eq3A_27 : i1 to i32
    %cond3A_29 = arith.constant 0 : i32
    %cond3A_30 = arith.cmpi ne, %convert_element_type3A_28, %cond3A_29 : i32
    scf.if %cond3A_30 {
      %get3A_31 = arith.constant 0 : index
      %get3A_32 = arith.constant 0 : index
      %get3A_33 = vector.load %arg4[%get3A_31, %get3A_32] : memref<1x1xf32, #tpu.memory_space<vmem>>, vector<1x1xf32>
      %mul3A = arith.constant 5.96046448E-7 : f32
      %mul3A_34 = vector.broadcast %mul3A : f32 to vector<1x1xf32>
      %mul3A_35 = arith.mulf %get3A_33, %mul3A_34 : vector<1x1xf32>
      %swap3A_36 = arith.constant 0 : index
      %swap3A_37 = arith.constant 0 : index
      %swap3A_38 = vector.load %arg4[%swap3A_36, %swap3A_37] : memref<1x1xf32, #tpu.memory_space<vmem>>, vector<1x1xf32>
      tpu.vector_store %arg4[%swap3A_36, %swap3A_37], %mul3A_35 {strides = array<i32>} : memref<1x1xf32, #tpu.memory_space<vmem>>, vector<1x1xf32>,
    } else {
    }
    return
  }
  func.func @transform_0(%arg0: i32) -> (i32, i32, i32) {
    %c0_i32 = arith.constant 0 : i32
    %c0_i32_0 = arith.constant 0 : i32
    %c0_i32_1 = arith.constant 0 : i32
    return %arg0, %c0_i32, %c0_i32_0 : i32, i32, i32
  }
  func.func @transform_1(%arg0: i32) -> (i32, i32) {
    %c0_i32 = arith.constant 0 : i32
    %c0_i32_0 = arith.constant 0 : i32
    return %arg0, %c0_i32 : i32, i32
  }
  func.func @transform_2(%arg0: i32) -> (i32, i32, i32) {
    %c0_i32 = arith.constant 0 : i32
    %c0_i32_0 = arith.constant 0 : i32
    %c0_i32_1 = arith.constant 0 : i32
    return %arg0, %c0_i32, %c0_i32_0 : i32, i32, i32
  }
  func.func @transform_3(%arg0: i32) -> (i32, i32) {
    %c0_i32 = arith.constant 0 : i32
    %c0_i32_0 = arith.constant 0 : i32
    %c0_i32_1 = arith.constant 0 : i32
    return %c0_i32, %c0_i32_0 : i32, i32
  }
}

</mosaic_0001>

<sc_bundles>
// kernel: kernel.5.cloned.1.call-start
scs
__scs_entry_jumppad:
0x0: {  	(pc) =	sbr.rel $0x88, $3  }
0x1: {  	(tag) =	ssettag $0x0;
	lr =	simm.s32 $0x1  }
0x2: {  	[smem:$0x3F9F] =	sst lr;
	_ =	strace $0xD0000000  }
0x3: {  	_ = 	snop  }
0x4: {  	_ = 	snop  }
0x5: {  	_ = 	snop  }
0x6: {  	_ = 	snop  }
0x7: {  	_ = 	snop  }
__scs_overlays_trampoline_lowered:
0x8: {  	[smem:$0x3FAE] =	sst s0  }
0x9: {  	[smem:$0x3FAF] =	sst s1  }
0xa: {  	[smem:$0x3FB0] =	sst s2  }
0xb: {  	[smem:$0x3FB1] =	sst s3  }
0xc: {  	[smem:$0x3FB2] =	sst s4  }
0xd: {  	[smem:$0x3FB3] =	sst s5  }
0xe: {  	[smem:$0x3FB4] =	sst s6  }
0xf: {  	[smem:$0x3FB5] =	sst s7  }
0x10: {  	[smem:$0x3FB6] =	sst s8  }
0x11: {  	[smem:$0x3FB7] =	sst s9;
	s0 =	simm.s32 @!p0 $0x0  }
0x12: {  	s1 =	sld [smem:$0x3F9D];
	s0 =	simm.s32 @p0 $0x1  }
0x13: {  	[smem:$0x3FB8] =	sst s0;
	s0 =	simm.s32 @!p1 $0x0  }
0x14: {  	s2 =	sld [smem:$0x3F9C];
	s0 =	simm.s32 @p1 $0x1  }
0x15: {  	[smem:$0x3FB9] =	sst s0;
	s0 =	simm.s32 @!p2 $0x0  }
0x16: {  	s3 =	sld [smem:$0x3FDB];
	s0 =	simm.s32 @p2 $0x1  }
0x17: {  	s4 =	simm.s32 $0x1BF5;
	[smem:$0x3FBB] =	sst s0  }
0x18: {  	s0 =	sld [smem:$0x3F9E];
	_ =	swait.ge [sflag:s4], $0x0  }
0x19: {  	s7 =	sld [smem:$0x3F9F]  }
0x1a: {  	s8 =	sadd.s32 $0xFFFFE003, lr  }
0x1b: {  	s9 =	sadd.s32 $0xFFFFFEF7, lr;
	s5 =	simm.s32 $0xFFFFFFFF;
	p2 =	slt.u32 s8, $0xFFFFF086  }
0x1c: {  	p1 =	slt.u32 s9, $0xF7A;
	s5 =	simm.s32 @!p2 $0x0  }
0x1d: {  	s5 =	simm.s32 @p1 $0x1;
	p0 =	seq.s32 s7, s2  }
0x1e: {  	s7 =	smul.u32 @!p0 $0xF7A, s2;
	p2 =	seq.s32 @!p0 s5, $0x0  }
0x1f: {  	s9 =	smul.u32 $0xF7A, s1;
	s8 =	simm.s32 @!p0 $0x1BF5;
	p2 =	por !p2, p0  }
0x20: {  	[sflag:s8] =	ssyncset.s32 @!p0 $0xFFFFF086;
	s6 =	sadd.s32 @!p0 s3, s7;
	s7 =	simm.s32 @!p0 $0x108  }
0x21: {  	s3 =	sadd.s32 s3, s9;
	s6 =	sadd.s32 @!p0 $0x88, s6;
	s7 =	simm.s32 @p2 $0x1082  }
0x22: {  	[simem:s7], [sflag:s8] =	dma.local @!p0 [hbm:s6], $0xF7A  }
0x23: {  	s9 =	sor.u32 $0xD0000000, s2;
	s6 =	simm.s32 $0x108;
	_ =	swait.ge @!p0 [sflag:s8], $0x0  }
0x24: {  	s3 =	sadd.s32 $0x88, s3;
	s6 =	simm.s32 @!p1 $0x1082;
	[sflag:s4] =	ssyncset.s32 $0xFFFFF086  }
0x25: {  	[simem:s6], [sflag:s4] =	dma.local [hbm:s3], $0xF7A  }
0x26: {  	[smem:$0x3F9F] =	sst s1;
	(tag) =	ssettag s2;
	_ =	strace s9  }
0x27: {  	s1 =	sld [smem:$0x3FAF]  }
0x28: {  	s2 =	sld [smem:$0x3FB0]  }
0x29: {  	s4 =	sld [smem:$0x3FB2]  }
0x2a: {  	p0 =	seq.s32 s5, $0x0;
	s5 =	sld [smem:$0x3FB3]  }
0x2b: {  	s6 =	sld [smem:$0x3FB4]  }
0x2c: {  	s7 =	sld [smem:$0x3FB5]  }
0x2d: {  	s3 =	simm.s32 $0x108;
	s8 =	sld [smem:$0x3FB6]  }
0x2e: {  	s3 =	simm.s32 @!p0 $0x1082;
	s9 =	sld [smem:$0x3FB7]  }
0x2f: {  	lr =	sadd.s32 s0, s3;
	s0 =	sld [smem:$0x3FAE]  }
0x30: {  	s3 =	sld [smem:$0x3FB1]  }
0x31: {  	[smem:$0x3FBA] =	sst s10  }
0x32: {  	s10 =	sld [smem:$0x3FB8];
	_ =	sdelay $0x3  }
0x33: {  	p0 =	seq.s32 s10, $0x1;
	s10 =	sld [smem:$0x3FBA];
	_ =	sdelay $0x3  }
0x34: {  	[smem:$0x3FBA] =	sst s10  }
0x35: {  	s10 =	sld [smem:$0x3FB9];
	_ =	sdelay $0x3  }
0x36: {  	p1 =	seq.s32 s10, $0x1;
	s10 =	sld [smem:$0x3FBA];
	_ =	sdelay $0x3  }
0x37: {  	[smem:$0x3FBA] =	sst s10  }
0x38: {  	s10 =	sld [smem:$0x3FBB]  }
0x39: {  	_ = 	snop;
	(pc) =	sbr.ind lr, $3  }
0x3a: {  	_ = 	snop  }
0x3b: {  	_ = 	snop  }
0x3c: {  	p2 =	seq.s32 s10, $0x1;
	s10 =	sld [smem:$0x3FBA]  }
0x3d: {  	_ =	shalt  }
0x3e: {  	_ =	shalt  }
0x3f: {  	_ =	shalt  }
0x40: {  	_ =	shalt  }
0x41: {  	_ =	shalt  }
0x42: {  	_ =	shalt  }
0x43: {  	_ =	shalt  }
0x44: {  	_ =	shalt  }
0x45: {  	_ =	shalt  }
0x46: {  	_ =	shalt  }
0x47: {  	_ =	shalt  }
0x48: {  	_ =	shalt  }
0x49: {  	_ =	shalt  }
0x4a: {  	_ =	shalt  }
0x4b: {  	_ =	shalt  }
0x4c: {  	_ =	shalt  }
0x4d: {  	_ =	shalt  }
0x4e: {  	_ =	shalt  }
0x4f: {  	_ =	shalt  }
0x50: {  	_ =	shalt  }
0x51: {  	_ =	shalt  }
0x52: {  	_ =	shalt  }
0x53: {  	_ =	shalt  }
0x54: {  	_ =	shalt  }
0x55: {  	_ =	shalt  }
0x56: {  	_ =	shalt  }
0x57: {  	_ =	shalt  }
0x58: {  	_ =	shalt  }
0x59: {  	_ =	shalt  }
0x5a: {  	_ =	shalt  }
0x5b: {  	_ =	shalt  }
0x5c: {  	_ =	shalt  }
0x5d: {  	_ =	shalt  }
0x5e: {  	_ =	shalt  }
0x5f: {  	_ =	shalt  }
0x60: {  	_ =	shalt  }
0x61: {  	_ =	shalt  }
0x62: {  	_ =	shalt  }
0x63: {  	_ =	shalt  }
0x64: {  	_ =	shalt  }
0x65: {  	_ =	shalt  }
0x66: {  	_ =	shalt  }
0x67: {  	_ =	shalt  }
0x68: {  	_ =	shalt  }
0x69: {  	_ =	shalt  }
0x6a: {  	_ =	shalt  }
0x6b: {  	_ =	shalt  }
0x6c: {  	_ =	shalt  }
0x6d: {  	_ =	shalt  }
0x6e: {  	_ =	shalt  }
0x6f: {  	_ =	shalt  }
0x70: {  	_ =	shalt  }
0x71: {  	_ =	shalt  }
0x72: {  	_ =	shalt  }
0x73: {  	_ =	shalt  }
0x74: {  	_ =	shalt  }
0x75: {  	_ =	shalt  }
0x76: {  	_ =	shalt  }
0x77: {  	_ =	shalt  }
0x78: {  	_ =	shalt  }
0x79: {  	_ =	shalt  }
0x7a: {  	_ =	shalt  }
0x7b: {  	_ =	shalt  }
0x7c: {  	_ =	shalt  }
0x7d: {  	_ =	shalt  }
0x7e: {  	_ =	shalt  }
0x7f: {  	_ =	shalt  }
0x80: {  	_ =	shalt  }
0x81: {  	_ =	shalt  }
0x82: {  	_ =	shalt  }
0x83: {  	_ =	shalt  }
0x84: {  	_ =	shalt  }
0x85: {  	_ =	shalt  }
0x86: {  	_ =	shalt  }
0x87: {  	_ =	shalt  }
.Lfunc_end0:
.L_simem_size_0:
called_computation_lowered:
.L_overlay_start_0:
0x88: {  	s2 =	sld [smem:$0x3FD9]  }
0x89: {  	s3 =	sld [smem:$0x3FFE];
	_ =	sdelay $0x1  }
0x8a: {  	s1 =	srdreg.scid  }
0x8b: {  	s0 =	sand.u32 $0x1, s1  }
0x8c: {  	s14 =	sshll.u32 s0, $0xA;
	s2 =	sadd.s32 s3, s2  }
0x8d: {  	s2 =	sadd.s32 s2, s14  }
0x8e: {  	[smem:$0x3FC6] =	sst s2  }
0x8f: {  	_ = 	snop  }
0x90: {  	s2 =	sld [smem:$0x3FD0];
	_ =	sdelay $0x2  }
0x91: {  	s15 =	simm.s32 $0xA;
	s4 =	simm.s32 $0x10  }
0x92: {  	[smem:s4], [sflag:s15] =	dma.local [hbm:s2], $0x1  }
0x93: {  	_ =	swait.eq [sflag:s15], $0x1  }
0x94: {  	[sflag:s15] =	ssyncset.done $0x0  }
0x95: {  	s16 =	sld [smem:$0x10];
	[sflag:s15] =	ssyncadd.s32 $0xFFFFFFFF  }
0x96: {  	s17 =	sld [smem:$0x12];
	(tm) =	ssettm $0x1  }
0x97: {  	s18 =	sld [smem:$0x3FFB];
	_ =	sdelay $0x3  }
0x98: {  	_ =	strace s18  }
0x99: {  	s4 =	sld [smem:$0x3FFC];
	_ =	sdelay $0x3  }
0x9a: {  	_ =	strace s4  }
0x9b: {  	s4 =	sld [smem:$0x3FFD];
	_ =	sdelay $0x3  }
0x9c: {  	_ =	strace s4  }
0x9d: {  	_ =	strace $0x8FFFFFFF  }
0x9e: {  	s19 =	sld [smem:$0x3FDB];
	_ =	sdelay $0x1  }
0x9f: {  	s5 =	simm.s32 $_scs_section_size  }
0xa0: {  	s6 =	simm.s32 $_size__tile_overlayer_lowered;
	s7 =	simm.s32 $_tile_overlayer_lowered  }
0xa1: {  	s22 =	simm.s32 $0x1BFF;
	s21 =	sshll.u32 s7, $0x1;
	s4 =	sadd.s32 s5, s19  }
0xa2: {  	s8 =	simm.s32 $0x0;
	s20 =	sshll.u32 s6, $0x1;
	s6 =	sadd.s32 s21, s4  }
0xa3: {  	[timem:s8], [sflag:s22] =	dma.local [hbm:s6], s20  }
0xa4: {  	_ =	swait.ge [sflag:s22], s20  }
0xa5: {  	s5 =	ssub.s32 $0x0, s20;
	[sflag:s22] =	ssyncset.done $0x0  }
0xa6: {  	[sflag:s22] =	ssyncadd.s32 s5;
	_ =	sdelay $0x1  }
0xa7: {  	s23 =	simm.s32 $0x1B8B  }
0xa8: {  	_ =	swait.ge [sflag:s23], $0x1  }
0xa9: {  	[sflag:s23] =	ssyncset.done $0x0  }
0xaa: {  	s25 =	simm.s32 $0x1B8E;
	s24 =	sld [smem:$0x3FFE];
	[sflag:s23] =	ssyncadd.s32 $0xFFFFFFFF  }
0xab: {  	s26 =	simm.s32 $execute0_lowered;
	[smem:$0x3FD2] =	sst s25  }
0xac: {  	s6 =	sshll.u32 s26, $0x1;
	_ =	strace $0x80000046;
	[dreg:$0x1] =	wrdreg $0xFFFFFFFF  }
0xad: {  	s28 =	simm.s32 $_size_execute0_lowered;
	s4 =	sadd.s32 s4, s6;
	[dreg:$0x0] =	wrdreg $0x0  }
0xae: {  	s6 =	sshll.u32 s28, $0x1;
	[dreg:$0x2] =	wrdreg s4  }
0xaf: {  	[dreg:$0x3] =	wrdreg s6  }
0xb0: {  	[dreg:$0x4] =	wrdreg $0xC0  }
0xb1: {  	_ =	task [dreg:s8], $0x5FFFF  }
0xb2: {  	[dreg:$0x1] =	wrdreg $0xFFFFFFFF  }
0xb3: {  	[dreg:$0x0] =	wrdreg $0x60  }
0xb4: {  	[dreg:$0x2] =	wrdreg s17  }
0xb5: {  	[dreg:$0x3] =	wrdreg s16  }
0xb6: {  	[dreg:$0x4] =	wrdreg s24  }
0xb7: {  	[dreg:$0x5] =	wrdreg $0x9  }
0xb8: {  	_ =	task.clear_ibuf [dreg:s8], $0x6FFFF;
	_ =	strace $0x90000046  }
0xb9: {  	s29 =	simm.s32 $0x9;
	_ =	strace $0x80000048  }
0xba: {  	_ =	swait.ge [sflag:s29], $0x1  }
0xbb: {  	[sflag:s29] =	ssyncadd.s32 $0xFFFFFFFF  }
0xbc: {  	_ =	strace $0x90000048  }
0xbd: {  	_ =	sfence  }
0xbe: {  	s30 =	sld [smem:$0x0];
	_ =	sdelay $0x2  }
0xbf: {  	s31 =	sshll.u32 s1, $0xD;
	s1 =	sshrl.u32 s1, $0x2  }
0xc0: {  	s3 =	sand.u32 $0x4000, s31;
	s1 =	sadd.s32 s1, s30  }
0xc1: {  	s0 =	sor.u32 s3, s0;
	s1 =	sshll.u32 s1, $0x11  }
0xc2: {  	s0 =	sor.u32 s1, s0  }
0xc3: {  	s0 =	sadd.s32 $0x8F2B, s0  }
0xc4: {  	[sflag:s0] =	ssyncadd.remote.s32 $0x1  }
0xc5: {  	_ =	sfence.sel $0xFFFF  }
0xc6: {  	[dreg:$0x0] =	wrdreg $0xFFFFFFFF;
	(pc) =	sbr.abs _section_cstart, $3  }
0xc7: {  	[dreg:$0x1] =	wrdreg $0xFFFFFFFF  }
0xc8: {  	_ =	task.clear_ibuf [dreg:s8], $0x2FFFF;
	_ =	strace $0x9FFFFFFF  }
0xc9: {  	(tm) =	ssettm $0x7FFFFFFF  }
tec
execute0_lowered:
.L_overlay_start_1:
0x0: {  	(tag) =	ssettag $0x1  }
0x1: {  	s4 =	rddreg [dreg:$0x0]  }
0x2: {  	s1 =	srdreg.scid;
	s0 =	stileid.u32  }
0x3: {  	s2 =	rddreg [dreg:$0x1];
	s30 =	sand.u32 $0x1, s1;
	s5 =	sshll.u32 s0, $0x1  }
0x4: {  	s14 =	rddreg [dreg:$0x2];
	s3 =	simm.s32 $0x0;
	s15 =	sor.u32 s30, s5  }
0x5: {  	[smem:$0x7FF] =	sst s3;
	s5 =	sshll.u32 s15, $0x8  }
0x6: {  	_ =	strace $0x80000047;
	s5 =	sadd.s32 s4, s5;
	s4 =	simm.s32 $0x2  }
0x7: {  	[tilespmem:s3], [sflag:$0x2] =	stream.linear.gather [hbm4b:s5+s3], $0x800, $0x38;
	[tilespmem:$0x10800] =	vst v63  }
0x8: {  	_ =	swait.ge [sflag:s4], $0x800  }
0x9: {  	[sflag:s4] =	ssyncset.done $0x0  }
0xa: {  	s6 =	simm.s32 $0x80;
	s7 =	simm.s32 $0x800;
	[sflag:s4] =	ssyncadd.s32 $0xFFFFF800  }
0xb: {  	[tilespmem:s7], [sflag:$0x1] =	stream.indirect.gather [hbm4b:s2+s6], $0x80, s3, s6, $0xb8;
	[tilespmem:$0x10800] =	vst v63  }
0xc: {  	s8 =	simm.s32 $0x4800  }
0xd: {  	[tilespmem:s8], [sflag:$0x1] =	stream.indirect.gather [hbm4b:s2+s6], $0x80, s6, s6, $0xb8;
	[tilespmem:$0x10800] =	vst v63  }
0xe: {  	s9 =	simm.s32 $0x100;
	s10 =	simm.s32 $0x8800  }
0xf: {  	[tilespmem:s10], [sflag:$0x1] =	stream.indirect.gather [hbm4b:s2+s6], $0x80, s9, s6, $0xb8;
	[tilespmem:$0x10800] =	vst v63  }
0x10: {  	s11 =	simm.s32 $0x180;
	s12 =	simm.s32 $0xC800;
	s13 =	simm.s32 $0x1  }
0x11: {  	[tilespmem:s12], [sflag:$0x1] =	stream.indirect.gather [hbm4b:s2+s6], $0x80, s11, s6, $0xb8;
	[tilespmem:$0x10800] =	vst v63  }
0x12: {  	_ =	swait.ge [sflag:s13], $0x4000  }
0x13: {  	[sflag:s13] =	ssyncset.done $0x0  }
0x14: {  	[sflag:s13] =	ssyncadd.s32 $0xFFFFC000  }
0x15: {  	_ =	swait.ge [sflag:s13], $0x4000  }
0x16: {  	[sflag:s13] =	ssyncset.done $0x0  }
0x17: {  	[sflag:s13] =	ssyncadd.s32 $0xFFFFC000  }
0x18: {  	_ =	swait.ge [sflag:s13], $0x4000  }
0x19: {  	[sflag:s13] =	ssyncset.done $0x0  }
0x1a: {  	[sflag:s13] =	ssyncadd.s32 $0xFFFFC000  }
0x1b: {  	s15 =	sshll.u32 s15, $0xF;
	_ =	swait.ge [sflag:s13], $0x4000  }
0x1c: {  	s31 =	sadd.s32 s15, s14;
	[sflag:s13] =	ssyncset.done $0x0  }
0x1d: {  	s14 =	sadd.s32 $0x1000, s31;
	[sflag:s13] =	ssyncadd.s32 $0xFFFFC000  }
0x1e: {  	[hbm4b:s14+s3] =	stream.linear.scatter [tilespmem:s7], [sflag:$0x2], $0x10000, $0x38;
	[tilespmem:$0x10800] =	vst v63  }
0x1f: {  	_ =	swait.ge [sflag:s4], $0x10000  }
0x20: {  	[sflag:s4] =	ssyncset.done $0x0  }
0x21: {  	s15 =	simm.s32 $0x200;
	[sflag:s4] =	ssyncadd.s32 $0xFFFF0000  }
0x22: {  	[tilespmem:s7], [sflag:$0x1] =	stream.indirect.gather [hbm4b:s2+s6], $0x80, s15, s6, $0xb8;
	[tilespmem:$0x10800] =	vst v63  }
0x23: {  	s16 =	simm.s32 $0x280  }
0x24: {  	[tilespmem:s8], [sflag:$0x1] =	stream.indirect.gather [hbm4b:s2+s6], $0x80, s16, s6, $0xb8;
	[tilespmem:$0x10800] =	vst v63  }
0x25: {  	s17 =	simm.s32 $0x300  }
0x26: {  	[tilespmem:s10], [sflag:$0x1] =	stream.indirect.gather [hbm4b:s2+s6], $0x80, s17, s6, $0xb8;
	[tilespmem:$0x10800] =	vst v63  }
0x27: {  	s18 =	simm.s32 $0x380  }
0x28: {  	[tilespmem:s12], [sflag:$0x1] =	stream.indirect.gather [hbm4b:s2+s6], $0x80, s18, s6, $0xb8;
	[tilespmem:$0x10800] =	vst v63  }
0x29: {  	_ =	swait.ge [sflag:s13], $0x4000  }
0x2a: {  	[sflag:s13] =	ssyncset.done $0x0  }
0x2b: {  	[sflag:s13] =	ssyncadd.s32 $0xFFFFC000  }
0x2c: {  	_ =	swait.ge [sflag:s13], $0x4000  }
0x2d: {  	[sflag:s13] =	ssyncset.done $0x0  }
0x2e: {  	[sflag:s13] =	ssyncadd.s32 $0xFFFFC000  }
0x2f: {  	_ =	swait.ge [sflag:s13], $0x4000  }
0x30: {  	[sflag:s13] =	ssyncset.done $0x0  }
0x31: {  	[sflag:s13] =	ssyncadd.s32 $0xFFFFC000  }
0x32: {  	_ =	swait.ge [sflag:s13], $0x4000  }
0x33: {  	[sflag:s13] =	ssyncset.done $0x0  }
0x34: {  	s19 =	sadd.s32 $0x3000, s31;
	[sflag:s13] =	ssyncadd.s32 $0xFFFFC000  }
0x35: {  	[hbm4b:s19+s3] =	stream.linear.scatter [tilespmem:s7], [sflag:$0x2], $0x10000, $0x38;
	[tilespmem:$0x10800] =	vst v63  }
0x36: {  	_ =	swait.ge [sflag:s4], $0x10000  }
0x37: {  	[sflag:s4] =	ssyncset.done $0x0  }
0x38: {  	s20 =	simm.s32 $0x400;
	[sflag:s4] =	ssyncadd.s32 $0xFFFF0000  }
0x39: {  	[tilespmem:s7], [sflag:$0x1] =	stream.indirect.gather [hbm4b:s2+s6], $0x80, s20, s6, $0xb8;
	[tilespmem:$0x10800] =	vst v63  }
0x3a: {  	s21 =	simm.s32 $0x480  }
0x3b: {  	[tilespmem:s8], [sflag:$0x1] =	stream.indirect.gather [hbm4b:s2+s6], $0x80, s21, s6, $0xb8;
	[tilespmem:$0x10800] =	vst v63  }
0x3c: {  	s22 =	simm.s32 $0x500  }
0x3d: {  	[tilespmem:s10], [sflag:$0x1] =	stream.indirect.gather [hbm4b:s2+s6], $0x80, s22, s6, $0xb8;
	[tilespmem:$0x10800] =	vst v63  }
0x3e: {  	s23 =	simm.s32 $0x580  }
0x3f: {  	[tilespmem:s12], [sflag:$0x1] =	stream.indirect.gather [hbm4b:s2+s6], $0x80, s23, s6, $0xb8;
	[tilespmem:$0x10800] =	vst v63  }
0x40: {  	_ =	swait.ge [sflag:s13], $0x4000  }
0x41: {  	[sflag:s13] =	ssyncset.done $0x0  }
0x42: {  	[sflag:s13] =	ssyncadd.s32 $0xFFFFC000  }
0x43: {  	_ =	swait.ge [sflag:s13], $0x4000  }
0x44: {  	[sflag:s13] =	ssyncset.done $0x0  }
0x45: {  	[sflag:s13] =	ssyncadd.s32 $0xFFFFC000  }
0x46: {  	_ =	swait.ge [sflag:s13], $0x4000  }
0x47: {  	[sflag:s13] =	ssyncset.done $0x0  }
0x48: {  	[sflag:s13] =	ssyncadd.s32 $0xFFFFC000  }
0x49: {  	_ =	swait.ge [sflag:s13], $0x4000  }
0x4a: {  	[sflag:s13] =	ssyncset.done $0x0  }
0x4b: {  	s24 =	sadd.s32 $0x5000, s31;
	[sflag:s13] =	ssyncadd.s32 $0xFFFFC000  }
0x4c: {  	[hbm4b:s24+s3] =	stream.linear.scatter [tilespmem:s7], [sflag:$0x2], $0x10000, $0x38;
	[tilespmem:$0x10800] =	vst v63  }
0x4d: {  	_ =	swait.ge [sflag:s4], $0x10000  }
0x4e: {  	[sflag:s4] =	ssyncset.done $0x0  }
0x4f: {  	s25 =	simm.s32 $0x600;
	[sflag:s4] =	ssyncadd.s32 $0xFFFF0000  }
0x50: {  	[tilespmem:s7], [sflag:$0x1] =	stream.indirect.gather [hbm4b:s2+s6], $0x80, s25, s6, $0xb8;
	[tilespmem:$0x10800] =	vst v63  }
0x51: {  	s26 =	simm.s32 $0x680  }
0x52: {  	[tilespmem:s8], [sflag:$0x1] =	stream.indirect.gather [hbm4b:s2+s6], $0x80, s26, s6, $0xb8;
	[tilespmem:$0x10800] =	vst v63  }
0x53: {  	s28 =	simm.s32 $0x700  }
0x54: {  	[tilespmem:s10], [sflag:$0x1] =	stream.indirect.gather [hbm4b:s2+s6], $0x80, s28, s6, $0xb8;
	[tilespmem:$0x10800] =	vst v63  }
0x55: {  	s29 =	simm.s32 $0x780  }
0x56: {  	[tilespmem:s12], [sflag:$0x1] =	stream.indirect.gather [hbm4b:s2+s6], $0x80, s29, s6, $0xb8;
	[tilespmem:$0x10800] =	vst v63  }
0x57: {  	_ =	swait.ge [sflag:s13], $0x4000  }
0x58: {  	[sflag:s13] =	ssyncset.done $0x0  }
0x59: {  	[sflag:s13] =	ssyncadd.s32 $0xFFFFC000  }
0x5a: {  	_ =	swait.ge [sflag:s13], $0x4000  }
0x5b: {  	[sflag:s13] =	ssyncset.done $0x0  }
0x5c: {  	s30 =	ssub.s32 $0x2, s30;
	[sflag:s13] =	ssyncadd.s32 $0xFFFFC000  }
0x5d: {  	s1 =	sshrl.u32 s30, $0x1;
	_ =	swait.ge [sflag:s13], $0x4000  }
0x5e: {  	s1 =	ssub.s32 s30, s1;
	[sflag:s13] =	ssyncset.done $0x0  }
0x5f: {  	s1 =	smax.u32 s1, $0x1;
	[sflag:s13] =	ssyncadd.s32 $0xFFFFC000  }
0x60: {  	p0 =	sne.s32 s1, $0x1;
	_ =	swait.ge [sflag:s13], $0x4000  }
.Ltmp0:
0x61: {  	[sflag:s13] =	ssyncset.done $0x0;
	(pc) =	sbr.rel @!p0 .LBB2_2-.Ltmp0, $4  }
0x62: {  	s30 =	sadd.s32 $0x7000, s31;
	[sflag:s13] =	ssyncadd.s32 $0xFFFFC000  }
0x63: {  	[hbm4b:s30+s3] =	stream.linear.scatter [tilespmem:s7], [sflag:$0x2], $0x10000, $0x38;
	[tilespmem:$0x10800] =	vst v63  }
0x64: {  	_ =	swait.ge [sflag:s4], $0x10000  }
0x65: {  	s31 =	sadd.s32 $0xFFFFFFFF, s1;
	[sflag:s4] =	ssyncset.done $0x0  }
.LBB2_1:
0x66: {  	p0 =	sne.s32 s31, $0x1;
	s31 =	sadd.s32 $0xFFFFFFFF, s31;
	[sflag:s4] =	ssyncadd.s32 $0xFFFF0000  }
0x67: {  	[tilespmem:s3], [sflag:$0x2] =	stream.linear.gather [hbm4b:s5+s3], $0x800, $0x38;
	[tilespmem:$0x10800] =	vst v63  }
0x68: {  	_ =	swait.ge [sflag:s4], $0x800  }
0x69: {  	[sflag:s4] =	ssyncset.done $0x0  }
0x6a: {  	[sflag:s4] =	ssyncadd.s32 $0xFFFFF800  }
0x6b: {  	[tilespmem:s7], [sflag:$0x1] =	stream.indirect.gather [hbm4b:s2+s6], $0x80, s3, s6, $0xb8;
	[tilespmem:$0x10800] =	vst v63  }
0x6c: {  	_ = 	snop  }
0x6d: {  	[tilespmem:s8], [sflag:$0x1] =	stream.indirect.gather [hbm4b:s2+s6], $0x80, s6, s6, $0xb8;
	[tilespmem:$0x10800] =	vst v63  }
0x6e: {  	_ = 	snop  }
0x6f: {  	[tilespmem:s10], [sflag:$0x1] =	stream.indirect.gather [hbm4b:s2+s6], $0x80, s9, s6, $0xb8;
	[tilespmem:$0x10800] =	vst v63  }
0x70: {  	_ = 	snop  }
0x71: {  	[tilespmem:s12], [sflag:$0x1] =	stream.indirect.gather [hbm4b:s2+s6], $0x80, s11, s6, $0xb8;
	[tilespmem:$0x10800] =	vst v63  }
0x72: {  	_ =	swait.ge [sflag:s13], $0x4000  }
0x73: {  	[sflag:s13] =	ssyncset.done $0x0  }
0x74: {  	[sflag:s13] =	ssyncadd.s32 $0xFFFFC000  }
0x75: {  	_ =	swait.ge [sflag:s13], $0x4000  }
0x76: {  	[sflag:s13] =	ssyncset.done $0x0  }
0x77: {  	[sflag:s13] =	ssyncadd.s32 $0xFFFFC000  }
0x78: {  	_ =	swait.ge [sflag:s13], $0x4000  }
0x79: {  	[sflag:s13] =	ssyncset.done $0x0  }
0x7a: {  	[sflag:s13] =	ssyncadd.s32 $0xFFFFC000  }
0x7b: {  	_ =	swait.ge [sflag:s13], $0x4000  }
0x7c: {  	[sflag:s13] =	ssyncset.done $0x0  }
0x7d: {  	[sflag:s13] =	ssyncadd.s32 $0xFFFFC000  }
0x7e: {  	[hbm4b:s14+s3] =	stream.linear.scatter [tilespmem:s7], [sflag:$0x2], $0x10000, $0x38;
	[tilespmem:$0x10800] =	vst v63  }
0x7f: {  	_ =	swait.ge [sflag:s4], $0x10000  }
0x80: {  	[sflag:s4] =	ssyncset.done $0x0  }
0x81: {  	[sflag:s4] =	ssyncadd.s32 $0xFFFF0000  }
0x82: {  	[tilespmem:s7], [sflag:$0x1] =	stream.indirect.gather [hbm4b:s2+s6], $0x80, s15, s6, $0xb8;
	[tilespmem:$0x10800] =	vst v63  }
0x83: {  	_ = 	snop  }
0x84: {  	[tilespmem:s8], [sflag:$0x1] =	stream.indirect.gather [hbm4b:s2+s6], $0x80, s16, s6, $0xb8;
	[tilespmem:$0x10800] =	vst v63  }
0x85: {  	_ = 	snop  }
0x86: {  	[tilespmem:s10], [sflag:$0x1] =	stream.indirect.gather [hbm4b:s2+s6], $0x80, s17, s6, $0xb8;
	[tilespmem:$0x10800] =	vst v63  }
0x87: {  	_ = 	snop  }
0x88: {  	[tilespmem:s12], [sflag:$0x1] =	stream.indirect.gather [hbm4b:s2+s6], $0x80, s18, s6, $0xb8;
	[tilespmem:$0x10800] =	vst v63  }
0x89: {  	_ =	swait.ge [sflag:s13], $0x4000  }
0x8a: {  	[sflag:s13] =	ssyncset.done $0x0  }
0x8b: {  	[sflag:s13] =	ssyncadd.s32 $0xFFFFC000  }
0x8c: {  	_ =	swait.ge [sflag:s13], $0x4000  }
0x8d: {  	[sflag:s13] =	ssyncset.done $0x0  }
0x8e: {  	[sflag:s13] =	ssyncadd.s32 $0xFFFFC000  }
0x8f: {  	_ =	swait.ge [sflag:s13], $0x4000  }
0x90: {  	[sflag:s13] =	ssyncset.done $0x0  }
0x91: {  	[sflag:s13] =	ssyncadd.s32 $0xFFFFC000  }
0x92: {  	_ =	swait.ge [sflag:s13], $0x4000  }
0x93: {  	[sflag:s13] =	ssyncset.done $0x0  }
0x94: {  	[sflag:s13] =	ssyncadd.s32 $0xFFFFC000  }
0x95: {  	[hbm4b:s19+s3] =	stream.linear.scatter [tilespmem:s7], [sflag:$0x2], $0x10000, $0x38;
	[tilespmem:$0x10800] =	vst v63  }
0x96: {  	_ =	swait.ge [sflag:s4], $0x10000  }
0x97: {  	[sflag:s4] =	ssyncset.done $0x0  }
0x98: {  	[sflag:s4] =	ssyncadd.s32 $0xFFFF0000  }
0x99: {  	[tilespmem:s7], [sflag:$0x1] =	stream.indirect.gather [hbm4b:s2+s6], $0x80, s20, s6, $0xb8;
	[tilespmem:$0x10800] =	vst v63  }
0x9a: {  	_ = 	snop  }
0x9b: {  	[tilespmem:s8], [sflag:$0x1] =	stream.indirect.gather [hbm4b:s2+s6], $0x80, s21, s6, $0xb8;
	[tilespmem:$0x10800] =	vst v63  }
0x9c: {  	_ = 	snop  }
0x9d: {  	[tilespmem:s10], [sflag:$0x1] =	stream.indirect.gather [hbm4b:s2+s6], $0x80, s22, s6, $0xb8;
	[tilespmem:$0x10800] =	vst v63  }
0x9e: {  	_ = 	snop  }
0x9f: {  	[tilespmem:s12], [sflag:$0x1] =	stream.indirect.gather [hbm4b:s2+s6], $0x80, s23, s6, $0xb8;
	[tilespmem:$0x10800] =	vst v63  }
0xa0: {  	_ =	swait.ge [sflag:s13], $0x4000  }
0xa1: {  	[sflag:s13] =	ssyncset.done $0x0  }
0xa2: {  	[sflag:s13] =	ssyncadd.s32 $0xFFFFC000  }
0xa3: {  	_ =	swait.ge [sflag:s13], $0x4000  }
0xa4: {  	[sflag:s13] =	ssyncset.done $0x0  }
0xa5: {  	[sflag:s13] =	ssyncadd.s32 $0xFFFFC000  }
0xa6: {  	_ =	swait.ge [sflag:s13], $0x4000  }
0xa7: {  	[sflag:s13] =	ssyncset.done $0x0  }
0xa8: {  	[sflag:s13] =	ssyncadd.s32 $0xFFFFC000  }
0xa9: {  	_ =	swait.ge [sflag:s13], $0x4000  }
0xaa: {  	[sflag:s13] =	ssyncset.done $0x0  }
0xab: {  	[sflag:s13] =	ssyncadd.s32 $0xFFFFC000  }
0xac: {  	[hbm4b:s24+s3] =	stream.linear.scatter [tilespmem:s7], [sflag:$0x2], $0x10000, $0x38;
	[tilespmem:$0x10800] =	vst v63  }
0xad: {  	_ =	swait.ge [sflag:s4], $0x10000  }
0xae: {  	[sflag:s4] =	ssyncset.done $0x0  }
0xaf: {  	[sflag:s4] =	ssyncadd.s32 $0xFFFF0000  }
0xb0: {  	[tilespmem:s7], [sflag:$0x1] =	stream.indirect.gather [hbm4b:s2+s6], $0x80, s25, s6, $0xb8;
	[tilespmem:$0x10800] =	vst v63  }
0xb1: {  	_ = 	snop  }
0xb2: {  	[tilespmem:s8], [sflag:$0x1] =	stream.indirect.gather [hbm4b:s2+s6], $0x80, s26, s6, $0xb8;
	[tilespmem:$0x10800] =	vst v63  }
0xb3: {  	_ = 	snop  }
0xb4: {  	[tilespmem:s10], [sflag:$0x1] =	stream.indirect.gather [hbm4b:s2+s6], $0x80, s28, s6, $0xb8;
	[tilespmem:$0x10800] =	vst v63  }
0xb5: {  	_ = 	snop  }
0xb6: {  	[tilespmem:s12], [sflag:$0x1] =	stream.indirect.gather [hbm4b:s2+s6], $0x80, s29, s6, $0xb8;
	[tilespmem:$0x10800] =	vst v63  }
0xb7: {  	_ =	swait.ge [sflag:s13], $0x4000  }
0xb8: {  	[sflag:s13] =	ssyncset.done $0x0  }
0xb9: {  	[sflag:s13] =	ssyncadd.s32 $0xFFFFC000  }
0xba: {  	_ =	swait.ge [sflag:s13], $0x4000  }
0xbb: {  	[sflag:s13] =	ssyncset.done $0x0  }
0xbc: {  	[sflag:s13] =	ssyncadd.s32 $0xFFFFC000  }
0xbd: {  	_ =	swait.ge [sflag:s13], $0x4000  }
0xbe: {  	[sflag:s13] =	ssyncset.done $0x0  }
0xbf: {  	[sflag:s13] =	ssyncadd.s32 $0xFFFFC000  }
0xc0: {  	_ =	swait.ge [sflag:s13], $0x4000  }
.Ltmp1:
0xc1: {  	[sflag:s13] =	ssyncset.done $0x0;
	(pc) =	sbr.rel @p0 .LBB2_1-.Ltmp1, $4  }
0xc2: {  	[sflag:s13] =	ssyncadd.s32 $0xFFFFC000  }
0xc3: {  	[hbm4b:s30+s3] =	stream.linear.scatter [tilespmem:s7], [sflag:$0x2], $0x10000, $0x38;
	[tilespmem:$0x10800] =	vst v63  }
0xc4: {  	_ =	swait.ge [sflag:s4], $0x10000  }
0xc5: {  	[sflag:s4] =	ssyncset.done $0x0  }
.LBB2_2:
0xc6: {  	[sflag:s4] =	ssyncadd.s32 $0xFFFF0000  }
0xc7: {  	_ =	sfence.sel $0x180000  }
0xc8: {  	[bflag:$0x0] =	sbarrier.arrive $0xFFFF  }
0xc9: {  	_ =	strace $0x90000047  }
0xca: {  	[bflag:$0x2] =	sbarrier.arrive $0xFFFF  }
0xcb: {  	p0 =	sne.s32 s0, $0x0;
	s0 =	rddreg [dreg:$0x3]  }
0xcc: {  	s0 =	sadd.s32 @!p0 $0x100000, s0  }
0xcd: {  	[sflag:s0] =	ssyncadd.tile.s32 @!p0 $0x1;
	_ =	shalt  }
.Lfunc_end2:
_tile_overlayer_lowered:
.L_overlay_start_2:
0xce: {  	(tag) =	ssettag $0x2  }
0xcf: {  	s0 =	rddreg [dreg:$0x0];
	s2 =	stileid.u32  }
0xd0: {  	s1 =	rddreg [dreg:$0x1];
	p0 =	sne.s32 s2, $0x0  }
0xd1: {  	s3 =	rddreg [dreg:$0x2];
	[bflag:$0x3] =	sbarrier.arrive $0xFFFF;
	s2 =	simm.s32 @!p0 $0x1C02  }
0xd2: {  	[timem:s3], [sflag:s2] =	dma.local @!p0 [hbm:s0], s1  }
0xd3: {  	s0 =	simm.s32 @!p0 $0x2  }
0xd4: {  	_ =	swait.ge @!p0 [sflag:s0], s1  }
0xd5: {  	s1 =	ssub.s32 @!p0 $0x0, s1;
	[sflag:s0] =	ssyncset.done @!p0 $0x0  }
0xd6: {  	[sflag:s0] =	ssyncadd.s32 @!p0 s1  }
0xd7: {  	[bflag:$0x3] =	sbarrier.arrive $0xFFFF  }
0xd8: {  	_ =	shalt  }

</sc_bundles>
